<compile_context>
chip_gen: v7x
topology: tpu7x:2x2x1
jax: 0.10.2.dev20260603
libtpu: 0.0.44.dev20260713+nightly
codegen_flags: <defaults>
</compile_context>

<pallas_src>
import functools

import jax
import jax.numpy as jnp
from jax import lax
from jax.experimental import pallas as pl
from jax.experimental.pallas import tpu as pltpu
from jax.experimental.pallas import tpu_sc as plsc

N = 10000
E = 320000
D = 128
H = 128
G = 128

NC = 2
NS = 16
NW = NC * NS
CH = 128
KCH = 80
E2 = NW * KCH * CH
NPAD = 10240
RPT = NPAD // NS


def _zero_vmem_rows(ref, nrows):
    def body(i, _):
        r = i // 8
        c = (i % 8) * 16
        ref[r, pl.ds(c, 16)] = jnp.zeros((16,), jnp.float32)
        return _
    lax.fori_loop(0, nrows * 8, body, None)


def _zero_vmem_1d(ref, n):
    def body(i, _):
        ref[pl.ds(i * 16, 16)] = jnp.zeros((16,), jnp.float32)
        return _
    lax.fori_loop(0, n // 16, body, None)


def _make_sc_agg(with_counts):
    mesh = plsc.VectorSubcoreMesh(core_axis_name="c", subcore_axis_name="s")
    out_type = [jax.ShapeDtypeStruct((NC, NPAD, H), jnp.float32)]
    scratch = (
        [pltpu.VMEM((2, CH), jnp.int32)]
        + [pltpu.VMEM((2, CH), jnp.int32)]
        + [pltpu.VMEM((CH, H), jnp.float32) for _ in range(2)]
        + [pltpu.VMEM_SHARED((NPAD, H), jnp.float32)]
        + [pltpu.SemaphoreType.DMA for _ in range(3)]
    )
    if with_counts:
        out_type.append(jax.ShapeDtypeStruct((NC, NPAD), jnp.float32))
        scratch += [
            pltpu.VMEM((CH,), jnp.float32),
            pltpu.VMEM((RPT,), jnp.float32),
            pltpu.VMEM_SHARED((NPAD,), jnp.float32),
        ]

    def body(*refs):
        if with_counts:
            (p_hbm, src_hbm, dst_hbm, s_out, cnt_out, *rest) = refs
        else:
            (p_hbm, src_hbm, dst_hbm, s_out, *rest) = refs
        idx_s2 = rest[0]
        idx_d2 = rest[1]
        rows = rest[2:4]
        acc = rest[4]
        sem_ga, sem_gb, sem_sa = rest[5:8]
        if with_counts:
            ones, zcnt, cacc = rest[8:11]
        rows0 = rows[0]
        c = lax.axis_index("c")
        s = lax.axis_index("s")
        w = s * NC + c

        _zero_vmem_rows(rows0, CH)
        for k in range(RPT // CH):
            pltpu.sync_copy(rows0, acc.at[pl.ds(s * RPT + k * CH, CH)])
        if with_counts:
            def fill_ones(i, _):
                ones[pl.ds(i * 16, 16)] = jnp.full((16,), 1.0, jnp.float32)
                return _
            lax.fori_loop(0, CH // 16, fill_ones, None)
            _zero_vmem_1d(zcnt, RPT)
            pltpu.sync_copy(zcnt, cacc.at[pl.ds(s * RPT, RPT)])
        plsc.subcore_barrier()

        def edge_body(i, _):
            pltpu.sync_copy(src_hbm.at[w, pl.ds(i * 2, 2)], idx_s2)
            pltpu.sync_copy(dst_hbm.at[w, pl.ds(i * 2, 2)], idx_d2)
            ga = pltpu.async_copy(p_hbm.at[idx_s2.at[0]], rows[0], sem_ga)
            gb = pltpu.async_copy(p_hbm.at[idx_s2.at[1]], rows[1], sem_gb)
            ga.wait()
            sa = pltpu.async_copy(rows[0], acc.at[idx_d2.at[0]], sem_sa,
                                  add=True)
            if with_counts:
                pltpu.sync_copy(ones, cacc.at[idx_d2.at[0]], add=True)
            gb.wait()
            pltpu.sync_copy(rows[1], acc.at[idx_d2.at[1]], add=True)
            if with_counts:
                pltpu.sync_copy(ones, cacc.at[idx_d2.at[1]], add=True)
            sa.wait()
            return _
        lax.fori_loop(0, KCH // 2, edge_body, None)
        plsc.subcore_barrier()

        for k in range(RPT // CH):
            r0 = s * RPT + k * CH
            pltpu.sync_copy(acc.at[pl.ds(r0, CH)], s_out.at[c, pl.ds(r0, CH)])
        if with_counts:
            pltpu.sync_copy(cacc.at[pl.ds(s * RPT, RPT)],
                            cnt_out.at[c, pl.ds(s * RPT, RPT)])

    return pl.kernel(body, mesh=mesh, out_type=out_type,
                     scratch_types=scratch)


_sc_agg_counts = _make_sc_agg(True)
_sc_agg = _make_sc_agg(False)


def _dot_t(a, w):
    return lax.dot_general(a, w, (((1,), (1,)), ((), ())),
                           preferred_element_type=jnp.float32)


def _tc_pre_body(x_ref, wl_ref, wr_ref, bl_ref, p_ref, q_ref):
    x = x_ref[...]
    p_ref[...] = _dot_t(x, wl_ref[...])
    q_ref[...] = _dot_t(x, wr_ref[...]) + bl_ref[...]


def _tc_pre(x, Wl, Wr, bl2):
    return pl.pallas_call(
        _tc_pre_body,
        out_shape=[jax.ShapeDtypeStruct((N, H), jnp.float32),
                   jax.ShapeDtypeStruct((N, H), jnp.float32)],
    )(x, Wl, Wr, bl2)


def _bn_relu(pre, g, b):
    m = jnp.mean(pre, axis=0, keepdims=True)
    v = jnp.mean((pre - m) ** 2, axis=0, keepdims=True)
    return jnp.maximum(g * (pre - m) * lax.rsqrt(v + 1e-5) + b, 0.0)


def _combine(s_ref, cnt_ref, q_ref):
    ssum = s_ref[0, :N, :] + s_ref[1, :N, :]
    cnt = cnt_ref[0, :N, :] + cnt_ref[1, :N, :]
    return ssum / jnp.maximum(cnt, 1.0) + q_ref[...]


def _tc_mid_body(s_ref, cnt_ref, q_ref, g_ref, b_ref, wl_ref, wr_ref, bl_ref,
                 p_ref, q2_ref):
    h = _bn_relu(_combine(s_ref, cnt_ref, q_ref), g_ref[...], b_ref[...])
    p_ref[...] = _dot_t(h, wl_ref[...])
    q2_ref[...] = _dot_t(h, wr_ref[...]) + bl_ref[...]


def _tc_mid(S, cnt3, Q, g2, b2, Wl, Wr, bl2):
    return pl.pallas_call(
        _tc_mid_body,
        out_shape=[jax.ShapeDtypeStruct((N, H), jnp.float32),
                   jax.ShapeDtypeStruct((N, H), jnp.float32)],
    )(S, cnt3, Q, g2, b2, Wl, Wr, bl2)


def _tc_post_body(s_ref, cnt_ref, q_ref, g_ref, b_ref, batch_ref, out_ref):
    h = _bn_relu(_combine(s_ref, cnt_ref, q_ref), g_ref[...], b_ref[...])
    gids = lax.broadcasted_iota(jnp.int32, (G, N), 0)
    onehot = (batch_ref[...] == gids).astype(jnp.float32)
    sums = lax.dot_general(onehot, h, (((1,), (0,)), ((), ())),
                           preferred_element_type=jnp.float32)
    cnts = jnp.sum(onehot, axis=1, keepdims=True)
    out_ref[...] = sums / jnp.maximum(cnts, 1.0)


def _tc_post(S, cnt3, Q, g2, b2, batch2):
    return pl.pallas_call(
        _tc_post_body,
        out_shape=jax.ShapeDtypeStruct((G, H), jnp.float32),
    )(S, cnt3, Q, g2, b2, batch2)


def kernel(x, edge_index, batch, Wl0, bl0, Wr0, Wl1, bl1, Wr1, g0, b0, g1, b1):
    src = jnp.concatenate(
        [edge_index[0], jnp.zeros((E2 - E,), jnp.int32)]).reshape(NW, KCH, CH)
    dst = jnp.concatenate(
        [edge_index[1], jnp.full((E2 - E,), N, jnp.int32)]).reshape(NW, KCH, CH)
    bl0_2 = bl0.reshape(1, H)
    bl1_2 = bl1.reshape(1, H)
    g0_2, b0_2 = g0.reshape(1, H), b0.reshape(1, H)
    g1_2, b1_2 = g1.reshape(1, H), b1.reshape(1, H)
    batch2 = batch.reshape(1, N)

    P0, Q0 = _tc_pre(x, Wl0, Wr0, bl0_2)
    S0, cnt = _sc_agg_counts(P0, src, dst)
    cnt3 = cnt.reshape(NC, NPAD, 1)
    P1, Q1 = _tc_mid(S0, cnt3, Q0, g0_2, b0_2, Wl1, Wr1, bl1_2)
    (S1,) = _sc_agg(P1, src, dst)
    out = _tc_post(S1, cnt3, Q1, g1_2, b1_2, batch2)
    return out

# --- scband reference (transcript-rebuilt; emitter-appended) ---
"""Pipeline reference for scband-sage-encoder-38439957299938 (READ-ONLY COPY).

The authoritative reference and input builder live on the scoring server;
editing this copy changes nothing except your own understanding.
"""

import jax, jax.numpy as jnp
import numpy as np

N = 10000
E = 320000
D = 128
H = 128
G = 128


def setup_inputs(seed: int = 0) -> dict:
    key = jax.random.key(seed)
    ks = jax.random.split(key, 16)
    x = jax.random.normal(ks[0], (N, D), dtype=jnp.float32)
    edge_index = jax.random.randint(ks[1], (2, E), 0, N, dtype=jnp.int32)
    batch = jnp.sort(jax.random.randint(ks[2], (N,), 0, G, dtype=jnp.int32))
    s0 = 1.0 / np.sqrt(D)
    s1 = 1.0 / np.sqrt(H)
    Wl0 = jax.random.normal(ks[3], (H, D), dtype=jnp.float32) * s0
    bl0 = jnp.zeros((H,), dtype=jnp.float32)
    Wr0 = jax.random.normal(ks[4], (H, D), dtype=jnp.float32) * s0
    Wl1 = jax.random.normal(ks[5], (H, H), dtype=jnp.float32) * s1
    bl1 = jnp.zeros((H,), dtype=jnp.float32)
    Wr1 = jax.random.normal(ks[6], (H, H), dtype=jnp.float32) * s1
    g0 = jnp.ones((H,), dtype=jnp.float32)
    b0 = jnp.zeros((H,), dtype=jnp.float32)
    g1 = jnp.ones((H,), dtype=jnp.float32)
    b1 = jnp.zeros((H,), dtype=jnp.float32)
    return {"x": x, "edge_index": edge_index, "batch": batch,
            "Wl0": Wl0, "bl0": bl0, "Wr0": Wr0,
            "Wl1": Wl1, "bl1": bl1, "Wr1": Wr1,
            "g0": g0, "b0": b0, "g1": g1, "b1": b1}


def _sage_conv(x, edge_index, Wl, bl, Wr):
    # PyG SAGEConv (mean aggr): out = lin_l(mean_{j in N(i)} x_j) + lin_r(x_i)
    src = edge_index[0]
    dst = edge_index[1]
    msgs = jnp.take(x, src, axis=0)
    agg = jax.ops.segment_sum(msgs, dst, num_segments=N)
    cnt = jax.ops.segment_sum(jnp.ones((edge_index.shape[1],), jnp.float32), dst, num_segments=N)
    mean = agg / jnp.clip(cnt, 1.0)[:, None]
    return mean @ Wl.T + bl + x @ Wr.T


def _bn(h, g, b, eps=1e-5):
    m = jnp.mean(h, axis=0)
    v = jnp.var(h, axis=0)
    return g * (h - m) / jnp.sqrt(v + eps) + b


def reference(x, edge_index, batch, Wl0, bl0, Wr0, Wl1, bl1, Wr1, g0, b0, g1, b1):
    # layer 0
    h = _sage_conv(x, edge_index, Wl0, bl0, Wr0)
    h = _bn(h, g0, b0)
    h = jax.nn.relu(h)
    # dropout = identity (eval mode)
    # layer 1 (last_activation=True)
    h = _sage_conv(h, edge_index, Wl1, bl1, Wr1)
    h = _bn(h, g1, b1)
    h = jax.nn.relu(h)
    # global mean pool over graph ids
    sums = jax.ops.segment_sum(h, batch, num_segments=G)
    cnts = jax.ops.segment_sum(jnp.ones((N,), jnp.float32), batch, num_segments=G)
    return sums / jnp.clip(cnts, 1.0)[:, None]

if __name__ == "__main__":
    import jax
    _d = setup_inputs()
    print(jax.jit(kernel)(*tuple(_d.values())))

</pallas_src>

<mosaic_0001>
#map = affine_map<(d0, d1) -> (0, 0)>
#map1 = affine_map<(d0, d1) -> (0, 0, 0)>
module attributes {stable_mosaic.version = 14 : i64} {
  func.func @body(%arg0: i32, %arg1: i32, %arg2: memref<10000x128xf32, #tpu.memory_space<hbm>>, %arg3: memref<32x80x128xi32, #tpu.memory_space<hbm>>, %arg4: memref<32x80x128xi32, #tpu.memory_space<hbm>>, %arg5: memref<2x10240x128xf32, #tpu.memory_space<hbm>>, %arg6: memref<2x10240xf32, #tpu.memory_space<hbm>>, %arg7: memref<2x128xi32, #tpu.memory_space<vmem>>, %arg8: memref<2x128xi32, #tpu.memory_space<vmem>>, %arg9: memref<128x128xf32, #tpu.memory_space<vmem>>, %arg10: memref<128x128xf32, #tpu.memory_space<vmem>>, %arg11: memref<10240x128xf32, #tpu.memory_space<vmem_shared>>, %arg12: memref<!tpu.dma_semaphore, #tpu.memory_space<semaphore_mem>>, %arg13: memref<!tpu.dma_semaphore, #tpu.memory_space<semaphore_mem>>, %arg14: memref<!tpu.dma_semaphore, #tpu.memory_space<semaphore_mem>>, %arg15: memref<128xf32, #tpu.memory_space<vmem>>, %arg16: memref<640xf32, #tpu.memory_space<vmem>>, %arg17: memref<10240xf32, #tpu.memory_space<vmem_shared>>) attributes {dimension_semantics = [#tpu.dimension_semantics<core_parallel>, #tpu.dimension_semantics<subcore_parallel>], iteration_bounds = array<i64: 2, 16>, scalar_prefetch = 0 : i64, scratch_operands = 11 : i64, tpu.core_type = #tpu.core_type<sc_vector_subcore>, window_params = [{transform_indices = #map}, {transform_indices = #map1}, {transform_indices = #map1}, {transform_indices = #map1}, {transform_indices = #map}]} {
    %mul3A = arith.constant 2 : i32
    %mul3A_0 = arith.muli %arg1, %mul3A : i32
    %add3A = arith.addi %mul3A_0, %arg0 : i32
    %scan3A = arith.constant 0 : i32
    %scan3A_1 = arith.constant 1024 : i32
    %scan3A_2 = arith.addi %scan3A, %scan3A_1 : i32
    %scan3A_3 = arith.constant 1 : i32
    scf.for %scan3A_67 = %scan3A to %scan3A_2 step %scan3A_3  : i32 {
      %jit3A = arith.constant 8 : i32
      %div3A = arith.divsi %scan3A_67, %jit3A : i32
      %sign3A = arith.constant 0 : i32
      %sign3A_68 = arith.cmpi sgt, %scan3A_67, %sign3A : i32
      %sign3A_69 = arith.extui %sign3A_68 : i1 to i32
      %sign3A_70 = arith.constant 0 : i32
      %sign3A_71 = arith.cmpi slt, %scan3A_67, %sign3A_70 : i32
      %sign3A_72 = arith.extui %sign3A_71 : i1 to i32
      %sign3A_73 = arith.subi %sign3A_69, %sign3A_72 : i32
      %sign3A_74 = arith.constant 0 : i32
      %sign3A_75 = arith.cmpi sgt, %jit3A, %sign3A_74 : i32
      %sign3A_76 = arith.extui %sign3A_75 : i1 to i32
      %sign3A_77 = arith.constant 0 : i32
      %sign3A_78 = arith.cmpi slt, %jit3A, %sign3A_77 : i32
      %sign3A_79 = arith.extui %sign3A_78 : i1 to i32
      %sign3A_80 = arith.subi %sign3A_76, %sign3A_79 : i32
      %ne3A = arith.cmpi ne, %sign3A_73, %sign3A_80 : i32
      %rem3A = arith.remsi %scan3A_67, %jit3A : i32
      %ne3A_81 = arith.constant 0 : i32
      %ne3A_82 = arith.cmpi ne, %rem3A, %ne3A_81 : i32
      %and3A = arith.andi %ne3A, %ne3A_82 : i1
      %sub3A = arith.constant 1 : i32
      %sub3A_83 = arith.subi %div3A, %sub3A : i32
      %select_n3A = arith.select %and3A, %sub3A_83, %div3A : i32
      %jit3A_84 = arith.constant 8 : i32
      %eq3A = arith.constant 0 : i32
      %eq3A_85 = arith.cmpi eq, %jit3A_84, %eq3A : i32
      %jit3A_86 = arith.constant 1 : i32
      %select_n3A_87 = arith.select %eq3A_85, %jit3A_86, %jit3A_84 : i32
      %rem3A_88 = arith.remsi %scan3A_67, %select_n3A_87 : i32
      %ne3A_89 = arith.constant 0 : i32
      %ne3A_90 = arith.cmpi ne, %rem3A_88, %ne3A_89 : i32
      %lt3A = arith.constant 0 : i32
      %lt3A_91 = arith.cmpi slt, %rem3A_88, %lt3A : i32
      %lt3A_92 = arith.constant 0 : i32
      %lt3A_93 = arith.cmpi slt, %select_n3A_87, %lt3A_92 : i32
      %ne3A_94 = arith.xori %lt3A_91, %lt3A_93 : i1
      %and3A_95 = arith.andi %ne3A_94, %ne3A_90 : i1
      %add3A_96 = arith.addi %rem3A_88, %select_n3A_87 : i32
      %select_n3A_97 = arith.select %and3A_95, %add3A_96, %rem3A_88 : i32
      %mul3A_98 = arith.constant 16 : i32
      %mul3A_99 = arith.muli %select_n3A_97, %mul3A_98 : i32
      %broadcast_in_dim3A = arith.constant 0.000000e+00 : f32
      %broadcast_in_dim3A_100 = vector.broadcast %broadcast_in_dim3A : f32 to vector<16xf32>
      %swap3A = arith.index_cast %select_n3A : i32 to index
      %swap3A_101 = arith.index_cast %mul3A_99 : i32 to index
      %swap3A_102 = tpu.vector_load %arg9[%swap3A, %swap3A_101] {strides = array<i32>} : memref<128x128xf32, #tpu.memory_space<vmem>>, vector<1x16xf32>,
      %swap3A_103 = vector.shape_cast %swap3A_102 : vector<1x16xf32> to vector<16xf32>
      %swap3A_104 = vector.shape_cast %broadcast_in_dim3A_100 : vector<16xf32> to vector<1x16xf32>
      tpu.vector_store %arg9[%swap3A, %swap3A_101], %swap3A_104 {strides = array<i32>} : memref<128x128xf32, #tpu.memory_space<vmem>>, vector<1x16xf32>,
    }
    %scan3A_4 = arith.constant 1024 : i32
    %mul3A_5 = arith.constant 640 : i32
    %mul3A_6 = arith.muli %arg1, %mul3A_5 : i32
    %add3A_7 = arith.constant 0 : i32
    %add3A_8 = arith.addi %mul3A_6, %add3A_7 : i32
    "tpu.region"() ({
      %run_scoped3A = tpu.sem_alloc : memref<!tpu.dma_semaphore, #tpu.memory_space<semaphore_mem>>
      %dma_start3A = arith.constant 0 : i32
      %dma_start3A_67 = tpu.memref_slice %arg11[%add3A_8, %dma_start3A] : memref<10240x128xf32, #tpu.memory_space<vmem_shared>> -> memref<128x128xf32, #tpu.memory_space<vmem_shared>>
      %dma_start3A_68 = arith.constant 0 : i32
      %dma_start3A_69 = tpu.memref_slice %arg11[%add3A_8, %dma_start3A_68] : memref<10240x128xf32, #tpu.memory_space<vmem_shared>> -> memref<128x128xf32, #tpu.memory_space<vmem_shared>>
      tpu.enqueue_dma source(%arg9 : memref<128x128xf32, #tpu.memory_space<vmem>>) target(%dma_start3A_69 : memref<128x128xf32, #tpu.memory_space<vmem_shared>>) target_semaphore(%run_scoped3A : memref<!tpu.dma_semaphore, #tpu.memory_space<semaphore_mem>>)
      %dma_wait3A = arith.constant 0 : i32
      %dma_wait3A_70 = tpu.memref_slice %arg11[%add3A_8, %dma_wait3A] : memref<10240x128xf32, #tpu.memory_space<vmem_shared>> -> memref<128x128xf32, #tpu.memory_space<vmem_shared>>
      %dma_wait3A_71 = arith.constant 0 : i32
      %dma_wait3A_72 = tpu.memref_slice %arg11[%add3A_8, %dma_wait3A_71] : memref<10240x128xf32, #tpu.memory_space<vmem_shared>> -> memref<128x128xf32, #tpu.memory_space<vmem_shared>>
      tpu.wait_dma2 semaphore(%run_scoped3A : memref<!tpu.dma_semaphore, #tpu.memory_space<semaphore_mem>>) src(%arg9 : memref<128x128xf32, #tpu.memory_space<vmem>>) dst(%dma_wait3A_72 : memref<128x128xf32, #tpu.memory_space<vmem_shared>>)
      tpu.yield
    }) : () -> ()
    %mul3A_9 = arith.constant 640 : i32
    %mul3A_10 = arith.muli %arg1, %mul3A_9 : i32
    %add3A_11 = arith.constant 128 : i32
    %add3A_12 = arith.addi %mul3A_10, %add3A_11 : i32
    "tpu.region"() ({
      %run_scoped3A = tpu.sem_alloc : memref<!tpu.dma_semaphore, #tpu.memory_space<semaphore_mem>>
      %dma_start3A = arith.constant 0 : i32
      %dma_start3A_67 = tpu.memref_slice %arg11[%add3A_12, %dma_start3A] : memref<10240x128xf32, #tpu.memory_space<vmem_shared>> -> memref<128x128xf32, #tpu.memory_space<vmem_shared>>
      %dma_start3A_68 = arith.constant 0 : i32
      %dma_start3A_69 = tpu.memref_slice %arg11[%add3A_12, %dma_start3A_68] : memref<10240x128xf32, #tpu.memory_space<vmem_shared>> -> memref<128x128xf32, #tpu.memory_space<vmem_shared>>
      tpu.enqueue_dma source(%arg9 : memref<128x128xf32, #tpu.memory_space<vmem>>) target(%dma_start3A_69 : memref<128x128xf32, #tpu.memory_space<vmem_shared>>) target_semaphore(%run_scoped3A : memref<!tpu.dma_semaphore, #tpu.memory_space<semaphore_mem>>)
      %dma_wait3A = arith.constant 0 : i32
      %dma_wait3A_70 = tpu.memref_slice %arg11[%add3A_12, %dma_wait3A] : memref<10240x128xf32, #tpu.memory_space<vmem_shared>> -> memref<128x128xf32, #tpu.memory_space<vmem_shared>>
      %dma_wait3A_71 = arith.constant 0 : i32
      %dma_wait3A_72 = tpu.memref_slice %arg11[%add3A_12, %dma_wait3A_71] : memref<10240x128xf32, #tpu.memory_space<vmem_shared>> -> memref<128x128xf32, #tpu.memory_space<vmem_shared>>
      tpu.wait_dma2 semaphore(%run_scoped3A : memref<!tpu.dma_semaphore, #tpu.memory_space<semaphore_mem>>) src(%arg9 : memref<128x128xf32, #tpu.memory_space<vmem>>) dst(%dma_wait3A_72 : memref<128x128xf32, #tpu.memory_space<vmem_shared>>)
      tpu.yield
    }) : () -> ()
    %mul3A_13 = arith.constant 640 : i32
    %mul3A_14 = arith.muli %arg1, %mul3A_13 : i32
    %add3A_15 = arith.constant 256 : i32
    %add3A_16 = arith.addi %mul3A_14, %add3A_15 : i32
    "tpu.region"() ({
      %run_scoped3A = tpu.sem_alloc : memref<!tpu.dma_semaphore, #tpu.memory_space<semaphore_mem>>
      %dma_start3A = arith.constant 0 : i32
      %dma_start3A_67 = tpu.memref_slice %arg11[%add3A_16, %dma_start3A] : memref<10240x128xf32, #tpu.memory_space<vmem_shared>> -> memref<128x128xf32, #tpu.memory_space<vmem_shared>>
      %dma_start3A_68 = arith.constant 0 : i32
      %dma_start3A_69 = tpu.memref_slice %arg11[%add3A_16, %dma_start3A_68] : memref<10240x128xf32, #tpu.memory_space<vmem_shared>> -> memref<128x128xf32, #tpu.memory_space<vmem_shared>>
      tpu.enqueue_dma source(%arg9 : memref<128x128xf32, #tpu.memory_space<vmem>>) target(%dma_start3A_69 : memref<128x128xf32, #tpu.memory_space<vmem_shared>>) target_semaphore(%run_scoped3A : memref<!tpu.dma_semaphore, #tpu.memory_space<semaphore_mem>>)
      %dma_wait3A = arith.constant 0 : i32
      %dma_wait3A_70 = tpu.memref_slice %arg11[%add3A_16, %dma_wait3A] : memref<10240x128xf32, #tpu.memory_space<vmem_shared>> -> memref<128x128xf32, #tpu.memory_space<vmem_shared>>
      %dma_wait3A_71 = arith.constant 0 : i32
      %dma_wait3A_72 = tpu.memref_slice %arg11[%add3A_16, %dma_wait3A_71] : memref<10240x128xf32, #tpu.memory_space<vmem_shared>> -> memref<128x128xf32, #tpu.memory_space<vmem_shared>>
      tpu.wait_dma2 semaphore(%run_scoped3A : memref<!tpu.dma_semaphore, #tpu.memory_space<semaphore_mem>>) src(%arg9 : memref<128x128xf32, #tpu.memory_space<vmem>>) dst(%dma_wait3A_72 : memref<128x128xf32, #tpu.memory_space<vmem_shared>>)
      tpu.yield
    }) : () -> ()
    %mul3A_17 = arith.constant 640 : i32
    %mul3A_18 = arith.muli %arg1, %mul3A_17 : i32
    %add3A_19 = arith.constant 384 : i32
    %add3A_20 = arith.addi %mul3A_18, %add3A_19 : i32
    "tpu.region"() ({
      %run_scoped3A = tpu.sem_alloc : memref<!tpu.dma_semaphore, #tpu.memory_space<semaphore_mem>>
      %dma_start3A = arith.constant 0 : i32
      %dma_start3A_67 = tpu.memref_slice %arg11[%add3A_20, %dma_start3A] : memref<10240x128xf32, #tpu.memory_space<vmem_shared>> -> memref<128x128xf32, #tpu.memory_space<vmem_shared>>
      %dma_start3A_68 = arith.constant 0 : i32
      %dma_start3A_69 = tpu.memref_slice %arg11[%add3A_20, %dma_start3A_68] : memref<10240x128xf32, #tpu.memory_space<vmem_shared>> -> memref<128x128xf32, #tpu.memory_space<vmem_shared>>
      tpu.enqueue_dma source(%arg9 : memref<128x128xf32, #tpu.memory_space<vmem>>) target(%dma_start3A_69 : memref<128x128xf32, #tpu.memory_space<vmem_shared>>) target_semaphore(%run_scoped3A : memref<!tpu.dma_semaphore, #tpu.memory_space<semaphore_mem>>)
      %dma_wait3A = arith.constant 0 : i32
      %dma_wait3A_70 = tpu.memref_slice %arg11[%add3A_20, %dma_wait3A] : memref<10240x128xf32, #tpu.memory_space<vmem_shared>> -> memref<128x128xf32, #tpu.memory_space<vmem_shared>>
      %dma_wait3A_71 = arith.constant 0 : i32
      %dma_wait3A_72 = tpu.memref_slice %arg11[%add3A_20, %dma_wait3A_71] : memref<10240x128xf32, #tpu.memory_space<vmem_shared>> -> memref<128x128xf32, #tpu.memory_space<vmem_shared>>
      tpu.wait_dma2 semaphore(%run_scoped3A : memref<!tpu.dma_semaphore, #tpu.memory_space<semaphore_mem>>) src(%arg9 : memref<128x128xf32, #tpu.memory_space<vmem>>) dst(%dma_wait3A_72 : memref<128x128xf32, #tpu.memory_space<vmem_shared>>)
      tpu.yield
    }) : () -> ()
    %mul3A_21 = arith.constant 640 : i32
    %mul3A_22 = arith.muli %arg1, %mul3A_21 : i32
    %add3A_23 = arith.constant 512 : i32
    %add3A_24 = arith.addi %mul3A_22, %add3A_23 : i32
    "tpu.region"() ({
      %run_scoped3A = tpu.sem_alloc : memref<!tpu.dma_semaphore, #tpu.memory_space<semaphore_mem>>
      %dma_start3A = arith.constant 0 : i32
      %dma_start3A_67 = tpu.memref_slice %arg11[%add3A_24, %dma_start3A] : memref<10240x128xf32, #tpu.memory_space<vmem_shared>> -> memref<128x128xf32, #tpu.memory_space<vmem_shared>>
      %dma_start3A_68 = arith.constant 0 : i32
      %dma_start3A_69 = tpu.memref_slice %arg11[%add3A_24, %dma_start3A_68] : memref<10240x128xf32, #tpu.memory_space<vmem_shared>> -> memref<128x128xf32, #tpu.memory_space<vmem_shared>>
      tpu.enqueue_dma source(%arg9 : memref<128x128xf32, #tpu.memory_space<vmem>>) target(%dma_start3A_69 : memref<128x128xf32, #tpu.memory_space<vmem_shared>>) target_semaphore(%run_scoped3A : memref<!tpu.dma_semaphore, #tpu.memory_space<semaphore_mem>>)
      %dma_wait3A = arith.constant 0 : i32
      %dma_wait3A_70 = tpu.memref_slice %arg11[%add3A_24, %dma_wait3A] : memref<10240x128xf32, #tpu.memory_space<vmem_shared>> -> memref<128x128xf32, #tpu.memory_space<vmem_shared>>
      %dma_wait3A_71 = arith.constant 0 : i32
      %dma_wait3A_72 = tpu.memref_slice %arg11[%add3A_24, %dma_wait3A_71] : memref<10240x128xf32, #tpu.memory_space<vmem_shared>> -> memref<128x128xf32, #tpu.memory_space<vmem_shared>>
      tpu.wait_dma2 semaphore(%run_scoped3A : memref<!tpu.dma_semaphore, #tpu.memory_space<semaphore_mem>>) src(%arg9 : memref<128x128xf32, #tpu.memory_space<vmem>>) dst(%dma_wait3A_72 : memref<128x128xf32, #tpu.memory_space<vmem_shared>>)
      tpu.yield
    }) : () -> ()
    %scan3A_25 = arith.constant 0 : i32
    %scan3A_26 = arith.constant 8 : i32
    %scan3A_27 = arith.addi %scan3A_25, %scan3A_26 : i32
    %scan3A_28 = arith.constant 1 : i32
    scf.for %scan3A_67 = %scan3A_25 to %scan3A_27 step %scan3A_28  : i32 {
      %broadcast_in_dim3A = arith.constant 1.000000e+00 : f32
      %broadcast_in_dim3A_68 = vector.broadcast %broadcast_in_dim3A : f32 to vector<16xf32>
      %mul3A_69 = arith.constant 16 : i32
      %mul3A_70 = arith.muli %scan3A_67, %mul3A_69 : i32
      %swap3A = arith.index_cast %mul3A_70 : i32 to index
      %swap3A_71 = tpu.vector_load %arg15[%swap3A] {strides = array<i32>} : memref<128xf32, #tpu.memory_space<vmem>>, vector<16xf32>,
      %swap3A_72 = vector.shape_cast %swap3A_71 : vector<16xf32> to vector<16xf32>
      %swap3A_73 = vector.shape_cast %broadcast_in_dim3A_68 : vector<16xf32> to vector<16xf32>
      tpu.vector_store %arg15[%swap3A], %swap3A_73 {strides = array<i32>} : memref<128xf32, #tpu.memory_space<vmem>>, vector<16xf32>,
    }
    %scan3A_29 = arith.constant 8 : i32
    %scan3A_30 = arith.constant 0 : i32
    %scan3A_31 = arith.constant 40 : i32
    %scan3A_32 = arith.addi %scan3A_30, %scan3A_31 : i32
    %scan3A_33 = arith.constant 1 : i32
    scf.for %scan3A_67 = %scan3A_30 to %scan3A_32 step %scan3A_33  : i32 {
      %broadcast_in_dim3A = arith.constant 0.000000e+00 : f32
      %broadcast_in_dim3A_68 = vector.broadcast %broadcast_in_dim3A : f32 to vector<16xf32>
      %mul3A_69 = arith.constant 16 : i32
      %mul3A_70 = arith.muli %scan3A_67, %mul3A_69 : i32
      %swap3A = arith.index_cast %mul3A_70 : i32 to index
      %swap3A_71 = tpu.vector_load %arg16[%swap3A] {strides = array<i32>} : memref<640xf32, #tpu.memory_space<vmem>>, vector<16xf32>,
      %swap3A_72 = vector.shape_cast %swap3A_71 : vector<16xf32> to vector<16xf32>
      %swap3A_73 = vector.shape_cast %broadcast_in_dim3A_68 : vector<16xf32> to vector<16xf32>
      tpu.vector_store %arg16[%swap3A], %swap3A_73 {strides = array<i32>} : memref<640xf32, #tpu.memory_space<vmem>>, vector<16xf32>,
    }
    %scan3A_34 = arith.constant 40 : i32
    %mul3A_35 = arith.constant 640 : i32
    %mul3A_36 = arith.muli %arg1, %mul3A_35 : i32
    "tpu.region"() ({
      %run_scoped3A = tpu.sem_alloc : memref<!tpu.dma_semaphore, #tpu.memory_space<semaphore_mem>>
      %dma_start3A = tpu.memref_slice %arg17[%mul3A_36] : memref<10240xf32, #tpu.memory_space<vmem_shared>> -> memref<640xf32, #tpu.memory_space<vmem_shared>>
      %dma_start3A_67 = tpu.memref_slice %arg17[%mul3A_36] : memref<10240xf32, #tpu.memory_space<vmem_shared>> -> memref<640xf32, #tpu.memory_space<vmem_shared>>
      tpu.enqueue_dma source(%arg16 : memref<640xf32, #tpu.memory_space<vmem>>) target(%dma_start3A_67 : memref<640xf32, #tpu.memory_space<vmem_shared>>) target_semaphore(%run_scoped3A : memref<!tpu.dma_semaphore, #tpu.memory_space<semaphore_mem>>)
      %dma_wait3A = tpu.memref_slice %arg17[%mul3A_36] : memref<10240xf32, #tpu.memory_space<vmem_shared>> -> memref<640xf32, #tpu.memory_space<vmem_shared>>
      %dma_wait3A_68 = tpu.memref_slice %arg17[%mul3A_36] : memref<10240xf32, #tpu.memory_space<vmem_shared>> -> memref<640xf32, #tpu.memory_space<vmem_shared>>
      tpu.wait_dma2 semaphore(%run_scoped3A : memref<!tpu.dma_semaphore, #tpu.memory_space<semaphore_mem>>) src(%arg16 : memref<640xf32, #tpu.memory_space<vmem>>) dst(%dma_wait3A_68 : memref<640xf32, #tpu.memory_space<vmem_shared>>)
      tpu.yield
    }) : () -> ()
    %barrier3A = arith.constant 0 : index
    tpu.barrier barrier_id(%barrier3A)
    %scan3A_37 = arith.constant 0 : i32
    %scan3A_38 = arith.constant 40 : i32
    %scan3A_39 = arith.addi %scan3A_37, %scan3A_38 : i32
    %scan3A_40 = arith.constant 1 : i32
    scf.for %scan3A_67 = %scan3A_37 to %scan3A_39 step %scan3A_40  : i32 {
      %mul3A_68 = arith.constant 2 : i32
      %mul3A_69 = arith.muli %scan3A_67, %mul3A_68 : i32
      "tpu.region"() ({
        %run_scoped3A_114 = tpu.sem_alloc : memref<!tpu.dma_semaphore, #tpu.memory_space<semaphore_mem>>
        %dma_start3A_115 = arith.constant 0 : i32
        %dma_start3A_116 = tpu.memref_slice %arg3[%add3A, %mul3A_69, %dma_start3A_115] : memref<32x80x128xi32, #tpu.memory_space<hbm>> -> memref<1x2x128xi32, #tpu.memory_space<hbm>>
        %dma_start3A_117 = tpu.memref_squeeze %dma_start3A_116 : memref<1x2x128xi32, #tpu.memory_space<hbm>> -> memref<2x128xi32, #tpu.memory_space<hbm>>
        %dma_start3A_118 = arith.constant 0 : i32
        %dma_start3A_119 = tpu.memref_slice %arg3[%add3A, %mul3A_69, %dma_start3A_118] : memref<32x80x128xi32, #tpu.memory_space<hbm>> -> memref<1x2x128xi32, #tpu.memory_space<hbm>>
        %dma_start3A_120 = tpu.memref_squeeze %dma_start3A_119 : memref<1x2x128xi32, #tpu.memory_space<hbm>> -> memref<2x128xi32, #tpu.memory_space<hbm>>
        tpu.enqueue_dma source(%dma_start3A_120 : memref<2x128xi32, #tpu.memory_space<hbm>>) target(%arg7 : memref<2x128xi32, #tpu.memory_space<vmem>>) target_semaphore(%run_scoped3A_114 : memref<!tpu.dma_semaphore, #tpu.memory_space<semaphore_mem>>)
        %dma_wait3A_121 = arith.constant 0 : i32
        %dma_wait3A_122 = tpu.memref_slice %arg3[%add3A, %mul3A_69, %dma_wait3A_121] : memref<32x80x128xi32, #tpu.memory_space<hbm>> -> memref<1x2x128xi32, #tpu.memory_space<hbm>>
        %dma_wait3A_123 = tpu.memref_squeeze %dma_wait3A_122 : memref<1x2x128xi32, #tpu.memory_space<hbm>> -> memref<2x128xi32, #tpu.memory_space<hbm>>
        %dma_wait3A_124 = arith.constant 0 : i32
        %dma_wait3A_125 = tpu.memref_slice %arg3[%add3A, %mul3A_69, %dma_wait3A_124] : memref<32x80x128xi32, #tpu.memory_space<hbm>> -> memref<1x2x128xi32, #tpu.memory_space<hbm>>
        %dma_wait3A_126 = tpu.memref_squeeze %dma_wait3A_125 : memref<1x2x128xi32, #tpu.memory_space<hbm>> -> memref<2x128xi32, #tpu.memory_space<hbm>>
        tpu.wait_dma2 semaphore(%run_scoped3A_114 : memref<!tpu.dma_semaphore, #tpu.memory_space<semaphore_mem>>) src(%dma_wait3A_126 : memref<2x128xi32, #tpu.memory_space<hbm>>) dst(%arg7 : memref<2x128xi32, #tpu.memory_space<vmem>>)
        tpu.yield
      }) : () -> ()
      %mul3A_70 = arith.constant 2 : i32
      %mul3A_71 = arith.muli %scan3A_67, %mul3A_70 : i32
      "tpu.region"() ({
        %run_scoped3A_114 = tpu.sem_alloc : memref<!tpu.dma_semaphore, #tpu.memory_space<semaphore_mem>>
        %dma_start3A_115 = arith.constant 0 : i32
        %dma_start3A_116 = tpu.memref_slice %arg4[%add3A, %mul3A_71, %dma_start3A_115] : memref<32x80x128xi32, #tpu.memory_space<hbm>> -> memref<1x2x128xi32, #tpu.memory_space<hbm>>
        %dma_start3A_117 = tpu.memref_squeeze %dma_start3A_116 : memref<1x2x128xi32, #tpu.memory_space<hbm>> -> memref<2x128xi32, #tpu.memory_space<hbm>>
        %dma_start3A_118 = arith.constant 0 : i32
        %dma_start3A_119 = tpu.memref_slice %arg4[%add3A, %mul3A_71, %dma_start3A_118] : memref<32x80x128xi32, #tpu.memory_space<hbm>> -> memref<1x2x128xi32, #tpu.memory_space<hbm>>
        %dma_start3A_120 = tpu.memref_squeeze %dma_start3A_119 : memref<1x2x128xi32, #tpu.memory_space<hbm>> -> memref<2x128xi32, #tpu.memory_space<hbm>>
        tpu.enqueue_dma source(%dma_start3A_120 : memref<2x128xi32, #tpu.memory_space<hbm>>) target(%arg8 : memref<2x128xi32, #tpu.memory_space<vmem>>) target_semaphore(%run_scoped3A_114 : memref<!tpu.dma_semaphore, #tpu.memory_space<semaphore_mem>>)
        %dma_wait3A_121 = arith.constant 0 : i32
        %dma_wait3A_122 = tpu.memref_slice %arg4[%add3A, %mul3A_71, %dma_wait3A_121] : memref<32x80x128xi32, #tpu.memory_space<hbm>> -> memref<1x2x128xi32, #tpu.memory_space<hbm>>
        %dma_wait3A_123 = tpu.memref_squeeze %dma_wait3A_122 : memref<1x2x128xi32, #tpu.memory_space<hbm>> -> memref<2x128xi32, #tpu.memory_space<hbm>>
        %dma_wait3A_124 = arith.constant 0 : i32
        %dma_wait3A_125 = tpu.memref_slice %arg4[%add3A, %mul3A_71, %dma_wait3A_124] : memref<32x80x128xi32, #tpu.memory_space<hbm>> -> memref<1x2x128xi32, #tpu.memory_space<hbm>>
        %dma_wait3A_126 = tpu.memref_squeeze %dma_wait3A_125 : memref<1x2x128xi32, #tpu.memory_space<hbm>> -> memref<2x128xi32, #tpu.memory_space<hbm>>
        tpu.wait_dma2 semaphore(%run_scoped3A_114 : memref<!tpu.dma_semaphore, #tpu.memory_space<semaphore_mem>>) src(%dma_wait3A_126 : memref<2x128xi32, #tpu.memory_space<hbm>>) dst(%arg8 : memref<2x128xi32, #tpu.memory_space<vmem>>)
        tpu.yield
      }) : () -> ()
      %dma_start3A = arith.constant 0 : i32
      %dma_start3A_72 = arith.constant 0 : i32
      %dma_start3A_73 = tpu.memref_slice %arg7[%dma_start3A, %dma_start3A_72] : memref<2x128xi32, #tpu.memory_space<vmem>> -> memref<1x128xi32, #tpu.memory_space<vmem>>
      %dma_start3A_74 = tpu.memref_squeeze %dma_start3A_73 : memref<1x128xi32, #tpu.memory_space<vmem>> -> memref<128xi32, #tpu.memory_space<vmem>>
      %dma_start3A_75 = arith.constant 0 : i32
      %dma_start3A_76 = arith.constant 0 : i32
      %dma_start3A_77 = tpu.memref_slice %arg2[%dma_start3A_75, %dma_start3A_76] : memref<10000x128xf32, #tpu.memory_space<hbm>> -> memref<10000x128xf32, #tpu.memory_space<hbm>>
      tpu.enqueue_indirect_dma source(%dma_start3A_77 : memref<10000x128xf32, #tpu.memory_space<hbm>>) target(%arg9 : memref<128x128xf32, #tpu.memory_space<vmem>>) offsets(%dma_start3A_74 : memref<128xi32, #tpu.memory_space<vmem>>) semaphore(%arg12 : memref<!tpu.dma_semaphore, #tpu.memory_space<semaphore_mem>>)
      %dma_start3A_78 = arith.constant 1 : i32
      %dma_start3A_79 = arith.constant 0 : i32
      %dma_start3A_80 = tpu.memref_slice %arg7[%dma_start3A_78, %dma_start3A_79] : memref<2x128xi32, #tpu.memory_space<vmem>> -> memref<1x128xi32, #tpu.memory_space<vmem>>
      %dma_start3A_81 = tpu.memref_squeeze %dma_start3A_80 : memref<1x128xi32, #tpu.memory_space<vmem>> -> memref<128xi32, #tpu.memory_space<vmem>>
      %dma_start3A_82 = arith.constant 0 : i32
      %dma_start3A_83 = arith.constant 0 : i32
      %dma_start3A_84 = tpu.memref_slice %arg2[%dma_start3A_82, %dma_start3A_83] : memref<10000x128xf32, #tpu.memory_space<hbm>> -> memref<10000x128xf32, #tpu.memory_space<hbm>>
      tpu.enqueue_indirect_dma source(%dma_start3A_84 : memref<10000x128xf32, #tpu.memory_space<hbm>>) target(%arg10 : memref<128x128xf32, #tpu.memory_space<vmem>>) offsets(%dma_start3A_81 : memref<128xi32, #tpu.memory_space<vmem>>) semaphore(%arg13 : memref<!tpu.dma_semaphore, #tpu.memory_space<semaphore_mem>>)
      %dma_wait3A = arith.constant 0 : i32
      %dma_wait3A_85 = arith.constant 0 : i32
      %dma_wait3A_86 = tpu.memref_slice %arg7[%dma_wait3A, %dma_wait3A_85] : memref<2x128xi32, #tpu.memory_space<vmem>> -> memref<1x128xi32, #tpu.memory_space<vmem>>
      %dma_wait3A_87 = tpu.memref_squeeze %dma_wait3A_86 : memref<1x128xi32, #tpu.memory_space<vmem>> -> memref<128xi32, #tpu.memory_space<vmem>>
      %dma_wait3A_88 = arith.constant 0 : i32
      %dma_wait3A_89 = arith.constant 0 : i32
      %dma_wait3A_90 = tpu.memref_slice %arg2[%dma_wait3A_88, %dma_wait3A_89] : memref<10000x128xf32, #tpu.memory_space<hbm>> -> memref<10000x128xf32, #tpu.memory_space<hbm>>
      tpu.wait_indirect_dma semaphore(%arg12 : memref<!tpu.dma_semaphore, #tpu.memory_space<semaphore_mem>>) src(%dma_wait3A_90 : memref<10000x128xf32, #tpu.memory_space<hbm>>) dst(%arg9 : memref<128x128xf32, #tpu.memory_space<vmem>>)
      %dma_start3A_91 = arith.constant 0 : i32
      %dma_start3A_92 = arith.constant 0 : i32
      %dma_start3A_93 = tpu.memref_slice %arg8[%dma_start3A_91, %dma_start3A_92] : memref<2x128xi32, #tpu.memory_space<vmem>> -> memref<1x128xi32, #tpu.memory_space<vmem>>
      %dma_start3A_94 = tpu.memref_squeeze %dma_start3A_93 : memref<1x128xi32, #tpu.memory_space<vmem>> -> memref<128xi32, #tpu.memory_space<vmem>>
      %dma_start3A_95 = arith.constant 0 : i32
      %dma_start3A_96 = arith.constant 0 : i32
      %dma_start3A_97 = tpu.memref_slice %arg11[%dma_start3A_95, %dma_start3A_96] : memref<10240x128xf32, #tpu.memory_space<vmem_shared>> -> memref<10240x128xf32, #tpu.memory_space<vmem_shared>>
      tpu.enqueue_indirect_dma source(%arg9 : memref<128x128xf32, #tpu.memory_space<vmem>>) target(%dma_start3A_97 : memref<10240x128xf32, #tpu.memory_space<vmem_shared>>) offsets(%dma_start3A_94 : memref<128xi32, #tpu.memory_space<vmem>>) semaphore(%arg14 : memref<!tpu.dma_semaphore, #tpu.memory_space<semaphore_mem>>) {add = true}
      %run_scoped3A = arith.constant 0 : i32
      "tpu.region"() ({
        %run_scoped3A_114 = tpu.sem_alloc : memref<!tpu.dma_semaphore, #tpu.memory_space<semaphore_mem>>
        %dma_start3A_115 = arith.constant 0 : i32
        %dma_start3A_116 = tpu.memref_slice %arg8[%run_scoped3A, %dma_start3A_115] : memref<2x128xi32, #tpu.memory_space<vmem>> -> memref<1x128xi32, #tpu.memory_space<vmem>>
        %dma_start3A_117 = tpu.memref_squeeze %dma_start3A_116 : memref<1x128xi32, #tpu.memory_space<vmem>> -> memref<128xi32, #tpu.memory_space<vmem>>
        %dma_start3A_118 = arith.constant 0 : i32
        %dma_start3A_119 = tpu.memref_slice %arg17[%dma_start3A_118] : memref<10240xf32, #tpu.memory_space<vmem_shared>> -> memref<10240xf32, #tpu.memory_space<vmem_shared>>
        tpu.enqueue_indirect_dma source(%arg15 : memref<128xf32, #tpu.memory_space<vmem>>) target(%dma_start3A_119 : memref<10240xf32, #tpu.memory_space<vmem_shared>>) offsets(%dma_start3A_117 : memref<128xi32, #tpu.memory_space<vmem>>) semaphore(%run_scoped3A_114 : memref<!tpu.dma_semaphore, #tpu.memory_space<semaphore_mem>>) {add = true}
        %dma_wait3A_120 = arith.constant 0 : i32
        %dma_wait3A_121 = tpu.memref_slice %arg8[%run_scoped3A, %dma_wait3A_120] : memref<2x128xi32, #tpu.memory_space<vmem>> -> memref<1x128xi32, #tpu.memory_space<vmem>>
        %dma_wait3A_122 = tpu.memref_squeeze %dma_wait3A_121 : memref<1x128xi32, #tpu.memory_space<vmem>> -> memref<128xi32, #tpu.memory_space<vmem>>
        %dma_wait3A_123 = arith.constant 0 : i32
        %dma_wait3A_124 = tpu.memref_slice %arg17[%dma_wait3A_123] : memref<10240xf32, #tpu.memory_space<vmem_shared>> -> memref<10240xf32, #tpu.memory_space<vmem_shared>>
        tpu.wait_indirect_dma semaphore(%run_scoped3A_114 : memref<!tpu.dma_semaphore, #tpu.memory_space<semaphore_mem>>) src(%arg15 : memref<128xf32, #tpu.memory_space<vmem>>) dst(%dma_wait3A_124 : memref<10240xf32, #tpu.memory_space<vmem_shared>>)
        tpu.yield
      }) : () -> ()
      %dma_wait3A_98 = arith.constant 1 : i32
      %dma_wait3A_99 = arith.constant 0 : i32
      %dma_wait3A_100 = tpu.memref_slice %arg7[%dma_wait3A_98, %dma_wait3A_99] : memref<2x128xi32, #tpu.memory_space<vmem>> -> memref<1x128xi32, #tpu.memory_space<vmem>>
      %dma_wait3A_101 = tpu.memref_squeeze %dma_wait3A_100 : memref<1x128xi32, #tpu.memory_space<vmem>> -> memref<128xi32, #tpu.memory_space<vmem>>
      %dma_wait3A_102 = arith.constant 0 : i32
      %dma_wait3A_103 = arith.constant 0 : i32
      %dma_wait3A_104 = tpu.memref_slice %arg2[%dma_wait3A_102, %dma_wait3A_103] : memref<10000x128xf32, #tpu.memory_space<hbm>> -> memref<10000x128xf32, #tpu.memory_space<hbm>>
      tpu.wait_indirect_dma semaphore(%arg13 : memref<!tpu.dma_semaphore, #tpu.memory_space<semaphore_mem>>) src(%dma_wait3A_104 : memref<10000x128xf32, #tpu.memory_space<hbm>>) dst(%arg10 : memref<128x128xf32, #tpu.memory_space<vmem>>)
      %run_scoped3A_105 = arith.constant 1 : i32
      "tpu.region"() ({
        %run_scoped3A_114 = tpu.sem_alloc : memref<!tpu.dma_semaphore, #tpu.memory_space<semaphore_mem>>
        %dma_start3A_115 = arith.constant 0 : i32
        %dma_start3A_116 = tpu.memref_slice %arg8[%run_scoped3A_105, %dma_start3A_115] : memref<2x128xi32, #tpu.memory_space<vmem>> -> memref<1x128xi32, #tpu.memory_space<vmem>>
        %dma_start3A_117 = tpu.memref_squeeze %dma_start3A_116 : memref<1x128xi32, #tpu.memory_space<vmem>> -> memref<128xi32, #tpu.memory_space<vmem>>
        %dma_start3A_118 = arith.constant 0 : i32
        %dma_start3A_119 = arith.constant 0 : i32
        %dma_start3A_120 = tpu.memref_slice %arg11[%dma_start3A_118, %dma_start3A_119] : memref<10240x128xf32, #tpu.memory_space<vmem_shared>> -> memref<10240x128xf32, #tpu.memory_space<vmem_shared>>
        tpu.enqueue_indirect_dma source(%arg10 : memref<128x128xf32, #tpu.memory_space<vmem>>) target(%dma_start3A_120 : memref<10240x128xf32, #tpu.memory_space<vmem_shared>>) offsets(%dma_start3A_117 : memref<128xi32, #tpu.memory_space<vmem>>) semaphore(%run_scoped3A_114 : memref<!tpu.dma_semaphore, #tpu.memory_space<semaphore_mem>>) {add = true}
        %dma_wait3A_121 = arith.constant 0 : i32
        %dma_wait3A_122 = tpu.memref_slice %arg8[%run_scoped3A_105, %dma_wait3A_121] : memref<2x128xi32, #tpu.memory_space<vmem>> -> memref<1x128xi32, #tpu.memory_space<vmem>>
        %dma_wait3A_123 = tpu.memref_squeeze %dma_wait3A_122 : memref<1x128xi32, #tpu.memory_space<vmem>> -> memref<128xi32, #tpu.memory_space<vmem>>
        %dma_wait3A_124 = arith.constant 0 : i32
        %dma_wait3A_125 = arith.constant 0 : i32
        %dma_wait3A_126 = tpu.memref_slice %arg11[%dma_wait3A_124, %dma_wait3A_125] : memref<10240x128xf32, #tpu.memory_space<vmem_shared>> -> memref<10240x128xf32, #tpu.memory_space<vmem_shared>>
        tpu.wait_indirect_dma semaphore(%run_scoped3A_114 : memref<!tpu.dma_semaphore, #tpu.memory_space<semaphore_mem>>) src(%arg10 : memref<128x128xf32, #tpu.memory_space<vmem>>) dst(%dma_wait3A_126 : memref<10240x128xf32, #tpu.memory_space<vmem_shared>>)
        tpu.yield
      }) : () -> ()
      %run_scoped3A_106 = arith.constant 1 : i32
      "tpu.region"() ({
        %run_scoped3A_114 = tpu.sem_alloc : memref<!tpu.dma_semaphore, #tpu.memory_space<semaphore_mem>>
        %dma_start3A_115 = arith.constant 0 : i32
        %dma_start3A_116 = tpu.memref_slice %arg8[%run_scoped3A_106, %dma_start3A_115] : memref<2x128xi32, #tpu.memory_space<vmem>> -> memref<1x128xi32, #tpu.memory_space<vmem>>
        %dma_start3A_117 = tpu.memref_squeeze %dma_start3A_116 : memref<1x128xi32, #tpu.memory_space<vmem>> -> memref<128xi32, #tpu.memory_space<vmem>>
        %dma_start3A_118 = arith.constant 0 : i32
        %dma_start3A_119 = tpu.memref_slice %arg17[%dma_start3A_118] : memref<10240xf32, #tpu.memory_space<vmem_shared>> -> memref<10240xf32, #tpu.memory_space<vmem_shared>>
        tpu.enqueue_indirect_dma source(%arg15 : memref<128xf32, #tpu.memory_space<vmem>>) target(%dma_start3A_119 : memref<10240xf32, #tpu.memory_space<vmem_shared>>) offsets(%dma_start3A_117 : memref<128xi32, #tpu.memory_space<vmem>>) semaphore(%run_scoped3A_114 : memref<!tpu.dma_semaphore, #tpu.memory_space<semaphore_mem>>) {add = true}
        %dma_wait3A_120 = arith.constant 0 : i32
        %dma_wait3A_121 = tpu.memref_slice %arg8[%run_scoped3A_106, %dma_wait3A_120] : memref<2x128xi32, #tpu.memory_space<vmem>> -> memref<1x128xi32, #tpu.memory_space<vmem>>
        %dma_wait3A_122 = tpu.memref_squeeze %dma_wait3A_121 : memref<1x128xi32, #tpu.memory_space<vmem>> -> memref<128xi32, #tpu.memory_space<vmem>>
        %dma_wait3A_123 = arith.constant 0 : i32
        %dma_wait3A_124 = tpu.memref_slice %arg17[%dma_wait3A_123] : memref<10240xf32, #tpu.memory_space<vmem_shared>> -> memref<10240xf32, #tpu.memory_space<vmem_shared>>
        tpu.wait_indirect_dma semaphore(%run_scoped3A_114 : memref<!tpu.dma_semaphore, #tpu.memory_space<semaphore_mem>>) src(%arg15 : memref<128xf32, #tpu.memory_space<vmem>>) dst(%dma_wait3A_124 : memref<10240xf32, #tpu.memory_space<vmem_shared>>)
        tpu.yield
      }) : () -> ()
      %dma_wait3A_107 = arith.constant 0 : i32
      %dma_wait3A_108 = arith.constant 0 : i32
      %dma_wait3A_109 = tpu.memref_slice %arg8[%dma_wait3A_107, %dma_wait3A_108] : memref<2x128xi32, #tpu.memory_space<vmem>> -> memref<1x128xi32, #tpu.memory_space<vmem>>
      %dma_wait3A_110 = tpu.memref_squeeze %dma_wait3A_109 : memref<1x128xi32, #tpu.memory_space<vmem>> -> memref<128xi32, #tpu.memory_space<vmem>>
      %dma_wait3A_111 = arith.constant 0 : i32
      %dma_wait3A_112 = arith.constant 0 : i32
      %dma_wait3A_113 = tpu.memref_slice %arg11[%dma_wait3A_111, %dma_wait3A_112] : memref<10240x128xf32, #tpu.memory_space<vmem_shared>> -> memref<10240x128xf32, #tpu.memory_space<vmem_shared>>
      tpu.wait_indirect_dma semaphore(%arg14 : memref<!tpu.dma_semaphore, #tpu.memory_space<semaphore_mem>>) src(%arg9 : memref<128x128xf32, #tpu.memory_space<vmem>>) dst(%dma_wait3A_113 : memref<10240x128xf32, #tpu.memory_space<vmem_shared>>)
    }
    %scan3A_41 = arith.constant 40 : i32
    %barrier3A_42 = arith.constant 0 : index
    tpu.barrier barrier_id(%barrier3A_42)
    %mul3A_43 = arith.constant 640 : i32
    %mul3A_44 = arith.muli %arg1, %mul3A_43 : i32
    %add3A_45 = arith.constant 0 : i32
    %add3A_46 = arith.addi %mul3A_44, %add3A_45 : i32
    "tpu.region"() ({
      %run_scoped3A = tpu.sem_alloc : memref<!tpu.dma_semaphore, #tpu.memory_space<semaphore_mem>>
      %dma_start3A = arith.constant 0 : i32
      %dma_start3A_67 = tpu.memref_slice %arg5[%arg0, %add3A_46, %dma_start3A] : memref<2x10240x128xf32, #tpu.memory_space<hbm>> -> memref<1x128x128xf32, #tpu.memory_space<hbm>>
      %dma_start3A_68 = tpu.memref_squeeze %dma_start3A_67 : memref<1x128x128xf32, #tpu.memory_space<hbm>> -> memref<128x128xf32, #tpu.memory_space<hbm>>
      %dma_start3A_69 = arith.constant 0 : i32
      %dma_start3A_70 = tpu.memref_slice %arg11[%add3A_46, %dma_start3A_69] : memref<10240x128xf32, #tpu.memory_space<vmem_shared>> -> memref<128x128xf32, #tpu.memory_space<vmem_shared>>
      tpu.enqueue_dma source(%dma_start3A_70 : memref<128x128xf32, #tpu.memory_space<vmem_shared>>) target(%dma_start3A_68 : memref<128x128xf32, #tpu.memory_space<hbm>>) target_semaphore(%run_scoped3A : memref<!tpu.dma_semaphore, #tpu.memory_space<semaphore_mem>>)
      %dma_wait3A = arith.constant 0 : i32
      %dma_wait3A_71 = tpu.memref_slice %arg5[%arg0, %add3A_46, %dma_wait3A] : memref<2x10240x128xf32, #tpu.memory_space<hbm>> -> memref<1x128x128xf32, #tpu.memory_space<hbm>>
      %dma_wait3A_72 = tpu.memref_squeeze %dma_wait3A_71 : memref<1x128x128xf32, #tpu.memory_space<hbm>> -> memref<128x128xf32, #tpu.memory_space<hbm>>
      %dma_wait3A_73 = arith.constant 0 : i32
      %dma_wait3A_74 = tpu.memref_slice %arg11[%add3A_46, %dma_wait3A_73] : memref<10240x128xf32, #tpu.memory_space<vmem_shared>> -> memref<128x128xf32, #tpu.memory_space<vmem_shared>>
      tpu.wait_dma2 semaphore(%run_scoped3A : memref<!tpu.dma_semaphore, #tpu.memory_space<semaphore_mem>>) src(%dma_wait3A_74 : memref<128x128xf32, #tpu.memory_space<vmem_shared>>) dst(%dma_wait3A_72 : memref<128x128xf32, #tpu.memory_space<hbm>>)
      tpu.yield
    }) : () -> ()
    %mul3A_47 = arith.constant 640 : i32
    %mul3A_48 = arith.muli %arg1, %mul3A_47 : i32
    %add3A_49 = arith.constant 128 : i32
    %add3A_50 = arith.addi %mul3A_48, %add3A_49 : i32
    "tpu.region"() ({
      %run_scoped3A = tpu.sem_alloc : memref<!tpu.dma_semaphore, #tpu.memory_space<semaphore_mem>>
      %dma_start3A = arith.constant 0 : i32
      %dma_start3A_67 = tpu.memref_slice %arg5[%arg0, %add3A_50, %dma_start3A] : memref<2x10240x128xf32, #tpu.memory_space<hbm>> -> memref<1x128x128xf32, #tpu.memory_space<hbm>>
      %dma_start3A_68 = tpu.memref_squeeze %dma_start3A_67 : memref<1x128x128xf32, #tpu.memory_space<hbm>> -> memref<128x128xf32, #tpu.memory_space<hbm>>
      %dma_start3A_69 = arith.constant 0 : i32
      %dma_start3A_70 = tpu.memref_slice %arg11[%add3A_50, %dma_start3A_69] : memref<10240x128xf32, #tpu.memory_space<vmem_shared>> -> memref<128x128xf32, #tpu.memory_space<vmem_shared>>
      tpu.enqueue_dma source(%dma_start3A_70 : memref<128x128xf32, #tpu.memory_space<vmem_shared>>) target(%dma_start3A_68 : memref<128x128xf32, #tpu.memory_space<hbm>>) target_semaphore(%run_scoped3A : memref<!tpu.dma_semaphore, #tpu.memory_space<semaphore_mem>>)
      %dma_wait3A = arith.constant 0 : i32
      %dma_wait3A_71 = tpu.memref_slice %arg5[%arg0, %add3A_50, %dma_wait3A] : memref<2x10240x128xf32, #tpu.memory_space<hbm>> -> memref<1x128x128xf32, #tpu.memory_space<hbm>>
      %dma_wait3A_72 = tpu.memref_squeeze %dma_wait3A_71 : memref<1x128x128xf32, #tpu.memory_space<hbm>> -> memref<128x128xf32, #tpu.memory_space<hbm>>
      %dma_wait3A_73 = arith.constant 0 : i32
      %dma_wait3A_74 = tpu.memref_slice %arg11[%add3A_50, %dma_wait3A_73] : memref<10240x128xf32, #tpu.memory_space<vmem_shared>> -> memref<128x128xf32, #tpu.memory_space<vmem_shared>>
      tpu.wait_dma2 semaphore(%run_scoped3A : memref<!tpu.dma_semaphore, #tpu.memory_space<semaphore_mem>>) src(%dma_wait3A_74 : memref<128x128xf32, #tpu.memory_space<vmem_shared>>) dst(%dma_wait3A_72 : memref<128x128xf32, #tpu.memory_space<hbm>>)
      tpu.yield
    }) : () -> ()
    %mul3A_51 = arith.constant 640 : i32
    %mul3A_52 = arith.muli %arg1, %mul3A_51 : i32
    %add3A_53 = arith.constant 256 : i32
    %add3A_54 = arith.addi %mul3A_52, %add3A_53 : i32
    "tpu.region"() ({
      %run_scoped3A = tpu.sem_alloc : memref<!tpu.dma_semaphore, #tpu.memory_space<semaphore_mem>>
      %dma_start3A = arith.constant 0 : i32
      %dma_start3A_67 = tpu.memref_slice %arg5[%arg0, %add3A_54, %dma_start3A] : memref<2x10240x128xf32, #tpu.memory_space<hbm>> -> memref<1x128x128xf32, #tpu.memory_space<hbm>>
      %dma_start3A_68 = tpu.memref_squeeze %dma_start3A_67 : memref<1x128x128xf32, #tpu.memory_space<hbm>> -> memref<128x128xf32, #tpu.memory_space<hbm>>
      %dma_start3A_69 = arith.constant 0 : i32
      %dma_start3A_70 = tpu.memref_slice %arg11[%add3A_54, %dma_start3A_69] : memref<10240x128xf32, #tpu.memory_space<vmem_shared>> -> memref<128x128xf32, #tpu.memory_space<vmem_shared>>
      tpu.enqueue_dma source(%dma_start3A_70 : memref<128x128xf32, #tpu.memory_space<vmem_shared>>) target(%dma_start3A_68 : memref<128x128xf32, #tpu.memory_space<hbm>>) target_semaphore(%run_scoped3A : memref<!tpu.dma_semaphore, #tpu.memory_space<semaphore_mem>>)
      %dma_wait3A = arith.constant 0 : i32
      %dma_wait3A_71 = tpu.memref_slice %arg5[%arg0, %add3A_54, %dma_wait3A] : memref<2x10240x128xf32, #tpu.memory_space<hbm>> -> memref<1x128x128xf32, #tpu.memory_space<hbm>>
      %dma_wait3A_72 = tpu.memref_squeeze %dma_wait3A_71 : memref<1x128x128xf32, #tpu.memory_space<hbm>> -> memref<128x128xf32, #tpu.memory_space<hbm>>
      %dma_wait3A_73 = arith.constant 0 : i32
      %dma_wait3A_74 = tpu.memref_slice %arg11[%add3A_54, %dma_wait3A_73] : memref<10240x128xf32, #tpu.memory_space<vmem_shared>> -> memref<128x128xf32, #tpu.memory_space<vmem_shared>>
      tpu.wait_dma2 semaphore(%run_scoped3A : memref<!tpu.dma_semaphore, #tpu.memory_space<semaphore_mem>>) src(%dma_wait3A_74 : memref<128x128xf32, #tpu.memory_space<vmem_shared>>) dst(%dma_wait3A_72 : memref<128x128xf32, #tpu.memory_space<hbm>>)
      tpu.yield
    }) : () -> ()
    %mul3A_55 = arith.constant 640 : i32
    %mul3A_56 = arith.muli %arg1, %mul3A_55 : i32
    %add3A_57 = arith.constant 384 : i32
    %add3A_58 = arith.addi %mul3A_56, %add3A_57 : i32
    "tpu.region"() ({
      %run_scoped3A = tpu.sem_alloc : memref<!tpu.dma_semaphore, #tpu.memory_space<semaphore_mem>>
      %dma_start3A = arith.constant 0 : i32
      %dma_start3A_67 = tpu.memref_slice %arg5[%arg0, %add3A_58, %dma_start3A] : memref<2x10240x128xf32, #tpu.memory_space<hbm>> -> memref<1x128x128xf32, #tpu.memory_space<hbm>>
      %dma_start3A_68 = tpu.memref_squeeze %dma_start3A_67 : memref<1x128x128xf32, #tpu.memory_space<hbm>> -> memref<128x128xf32, #tpu.memory_space<hbm>>
      %dma_start3A_69 = arith.constant 0 : i32
      %dma_start3A_70 = tpu.memref_slice %arg11[%add3A_58, %dma_start3A_69] : memref<10240x128xf32, #tpu.memory_space<vmem_shared>> -> memref<128x128xf32, #tpu.memory_space<vmem_shared>>
      tpu.enqueue_dma source(%dma_start3A_70 : memref<128x128xf32, #tpu.memory_space<vmem_shared>>) target(%dma_start3A_68 : memref<128x128xf32, #tpu.memory_space<hbm>>) target_semaphore(%run_scoped3A : memref<!tpu.dma_semaphore, #tpu.memory_space<semaphore_mem>>)
      %dma_wait3A = arith.constant 0 : i32
      %dma_wait3A_71 = tpu.memref_slice %arg5[%arg0, %add3A_58, %dma_wait3A] : memref<2x10240x128xf32, #tpu.memory_space<hbm>> -> memref<1x128x128xf32, #tpu.memory_space<hbm>>
      %dma_wait3A_72 = tpu.memref_squeeze %dma_wait3A_71 : memref<1x128x128xf32, #tpu.memory_space<hbm>> -> memref<128x128xf32, #tpu.memory_space<hbm>>
      %dma_wait3A_73 = arith.constant 0 : i32
      %dma_wait3A_74 = tpu.memref_slice %arg11[%add3A_58, %dma_wait3A_73] : memref<10240x128xf32, #tpu.memory_space<vmem_shared>> -> memref<128x128xf32, #tpu.memory_space<vmem_shared>>
      tpu.wait_dma2 semaphore(%run_scoped3A : memref<!tpu.dma_semaphore, #tpu.memory_space<semaphore_mem>>) src(%dma_wait3A_74 : memref<128x128xf32, #tpu.memory_space<vmem_shared>>) dst(%dma_wait3A_72 : memref<128x128xf32, #tpu.memory_space<hbm>>)
      tpu.yield
    }) : () -> ()
    %mul3A_59 = arith.constant 640 : i32
    %mul3A_60 = arith.muli %arg1, %mul3A_59 : i32
    %add3A_61 = arith.constant 512 : i32
    %add3A_62 = arith.addi %mul3A_60, %add3A_61 : i32
    "tpu.region"() ({
      %run_scoped3A = tpu.sem_alloc : memref<!tpu.dma_semaphore, #tpu.memory_space<semaphore_mem>>
      %dma_start3A = arith.constant 0 : i32
      %dma_start3A_67 = tpu.memref_slice %arg5[%arg0, %add3A_62, %dma_start3A] : memref<2x10240x128xf32, #tpu.memory_space<hbm>> -> memref<1x128x128xf32, #tpu.memory_space<hbm>>
      %dma_start3A_68 = tpu.memref_squeeze %dma_start3A_67 : memref<1x128x128xf32, #tpu.memory_space<hbm>> -> memref<128x128xf32, #tpu.memory_space<hbm>>
      %dma_start3A_69 = arith.constant 0 : i32
      %dma_start3A_70 = tpu.memref_slice %arg11[%add3A_62, %dma_start3A_69] : memref<10240x128xf32, #tpu.memory_space<vmem_shared>> -> memref<128x128xf32, #tpu.memory_space<vmem_shared>>
      tpu.enqueue_dma source(%dma_start3A_70 : memref<128x128xf32, #tpu.memory_space<vmem_shared>>) target(%dma_start3A_68 : memref<128x128xf32, #tpu.memory_space<hbm>>) target_semaphore(%run_scoped3A : memref<!tpu.dma_semaphore, #tpu.memory_space<semaphore_mem>>)
      %dma_wait3A = arith.constant 0 : i32
      %dma_wait3A_71 = tpu.memref_slice %arg5[%arg0, %add3A_62, %dma_wait3A] : memref<2x10240x128xf32, #tpu.memory_space<hbm>> -> memref<1x128x128xf32, #tpu.memory_space<hbm>>
      %dma_wait3A_72 = tpu.memref_squeeze %dma_wait3A_71 : memref<1x128x128xf32, #tpu.memory_space<hbm>> -> memref<128x128xf32, #tpu.memory_space<hbm>>
      %dma_wait3A_73 = arith.constant 0 : i32
      %dma_wait3A_74 = tpu.memref_slice %arg11[%add3A_62, %dma_wait3A_73] : memref<10240x128xf32, #tpu.memory_space<vmem_shared>> -> memref<128x128xf32, #tpu.memory_space<vmem_shared>>
      tpu.wait_dma2 semaphore(%run_scoped3A : memref<!tpu.dma_semaphore, #tpu.memory_space<semaphore_mem>>) src(%dma_wait3A_74 : memref<128x128xf32, #tpu.memory_space<vmem_shared>>) dst(%dma_wait3A_72 : memref<128x128xf32, #tpu.memory_space<hbm>>)
      tpu.yield
    }) : () -> ()
    %mul3A_63 = arith.constant 640 : i32
    %mul3A_64 = arith.muli %arg1, %mul3A_63 : i32
    %mul3A_65 = arith.constant 640 : i32
    %mul3A_66 = arith.muli %arg1, %mul3A_65 : i32
    "tpu.region"() ({
      %run_scoped3A = tpu.sem_alloc : memref<!tpu.dma_semaphore, #tpu.memory_space<semaphore_mem>>
      %dma_start3A = tpu.memref_slice %arg6[%arg0, %mul3A_66] : memref<2x10240xf32, #tpu.memory_space<hbm>> -> memref<1x640xf32, #tpu.memory_space<hbm>>
      %dma_start3A_67 = tpu.memref_squeeze %dma_start3A : memref<1x640xf32, #tpu.memory_space<hbm>> -> memref<640xf32, #tpu.memory_space<hbm>>
      %dma_start3A_68 = tpu.memref_slice %arg17[%mul3A_64] : memref<10240xf32, #tpu.memory_space<vmem_shared>> -> memref<640xf32, #tpu.memory_space<vmem_shared>>
      tpu.enqueue_dma source(%dma_start3A_68 : memref<640xf32, #tpu.memory_space<vmem_shared>>) target(%dma_start3A_67 : memref<640xf32, #tpu.memory_space<hbm>>) target_semaphore(%run_scoped3A : memref<!tpu.dma_semaphore, #tpu.memory_space<semaphore_mem>>)
      %dma_wait3A = tpu.memref_slice %arg6[%arg0, %mul3A_66] : memref<2x10240xf32, #tpu.memory_space<hbm>> -> memref<1x640xf32, #tpu.memory_space<hbm>>
      %dma_wait3A_69 = tpu.memref_squeeze %dma_wait3A : memref<1x640xf32, #tpu.memory_space<hbm>> -> memref<640xf32, #tpu.memory_space<hbm>>
      %dma_wait3A_70 = tpu.memref_slice %arg17[%mul3A_64] : memref<10240xf32, #tpu.memory_space<vmem_shared>> -> memref<640xf32, #tpu.memory_space<vmem_shared>>
      tpu.wait_dma2 semaphore(%run_scoped3A : memref<!tpu.dma_semaphore, #tpu.memory_space<semaphore_mem>>) src(%dma_wait3A_70 : memref<640xf32, #tpu.memory_space<vmem_shared>>) dst(%dma_wait3A_69 : memref<640xf32, #tpu.memory_space<hbm>>)
      tpu.yield
    }) : () -> ()
    return
  }
}

#map = affine_map<(d0, d1) -> (0, 0)>
#map1 = affine_map<(d0, d1) -> (0, 0, 0)>
module attributes {stable_mosaic.version = 14 : i64} {
  func.func @body(%arg0: i32, %arg1: i32, %arg2: memref<10000x128xf32, #tpu.memory_space<hbm>>, %arg3: memref<32x80x128xi32, #tpu.memory_space<hbm>>, %arg4: memref<32x80x128xi32, #tpu.memory_space<hbm>>, %arg5: memref<2x10240x128xf32, #tpu.memory_space<hbm>>, %arg6: memref<2x128xi32, #tpu.memory_space<vmem>>, %arg7: memref<2x128xi32, #tpu.memory_space<vmem>>, %arg8: memref<128x128xf32, #tpu.memory_space<vmem>>, %arg9: memref<128x128xf32, #tpu.memory_space<vmem>>, %arg10: memref<10240x128xf32, #tpu.memory_space<vmem_shared>>, %arg11: memref<!tpu.dma_semaphore, #tpu.memory_space<semaphore_mem>>, %arg12: memref<!tpu.dma_semaphore, #tpu.memory_space<semaphore_mem>>, %arg13: memref<!tpu.dma_semaphore, #tpu.memory_space<semaphore_mem>>) attributes {dimension_semantics = [#tpu.dimension_semantics<core_parallel>, #tpu.dimension_semantics<subcore_parallel>], iteration_bounds = array<i64: 2, 16>, scalar_prefetch = 0 : i64, scratch_operands = 8 : i64, tpu.core_type = #tpu.core_type<sc_vector_subcore>, window_params = [{transform_indices = #map}, {transform_indices = #map1}, {transform_indices = #map1}, {transform_indices = #map1}]} {
    %mul3A = arith.constant 2 : i32
    %mul3A_0 = arith.muli %arg1, %mul3A : i32
    %add3A = arith.addi %mul3A_0, %arg0 : i32
    %scan3A = arith.constant 0 : i32
    %scan3A_1 = arith.constant 1024 : i32
    %scan3A_2 = arith.addi %scan3A, %scan3A_1 : i32
    %scan3A_3 = arith.constant 1 : i32
    scf.for %scan3A_51 = %scan3A to %scan3A_2 step %scan3A_3  : i32 {
      %jit3A = arith.constant 8 : i32
      %div3A = arith.divsi %scan3A_51, %jit3A : i32
      %sign3A = arith.constant 0 : i32
      %sign3A_52 = arith.cmpi sgt, %scan3A_51, %sign3A : i32
      %sign3A_53 = arith.extui %sign3A_52 : i1 to i32
      %sign3A_54 = arith.constant 0 : i32
      %sign3A_55 = arith.cmpi slt, %scan3A_51, %sign3A_54 : i32
      %sign3A_56 = arith.extui %sign3A_55 : i1 to i32
      %sign3A_57 = arith.subi %sign3A_53, %sign3A_56 : i32
      %sign3A_58 = arith.constant 0 : i32
      %sign3A_59 = arith.cmpi sgt, %jit3A, %sign3A_58 : i32
      %sign3A_60 = arith.extui %sign3A_59 : i1 to i32
      %sign3A_61 = arith.constant 0 : i32
      %sign3A_62 = arith.cmpi slt, %jit3A, %sign3A_61 : i32
      %sign3A_63 = arith.extui %sign3A_62 : i1 to i32
      %sign3A_64 = arith.subi %sign3A_60, %sign3A_63 : i32
      %ne3A = arith.cmpi ne, %sign3A_57, %sign3A_64 : i32
      %rem3A = arith.remsi %scan3A_51, %jit3A : i32
      %ne3A_65 = arith.constant 0 : i32
      %ne3A_66 = arith.cmpi ne, %rem3A, %ne3A_65 : i32
      %and3A = arith.andi %ne3A, %ne3A_66 : i1
      %sub3A = arith.constant 1 : i32
      %sub3A_67 = arith.subi %div3A, %sub3A : i32
      %select_n3A = arith.select %and3A, %sub3A_67, %div3A : i32
      %jit3A_68 = arith.constant 8 : i32
      %eq3A = arith.constant 0 : i32
      %eq3A_69 = arith.cmpi eq, %jit3A_68, %eq3A : i32
      %jit3A_70 = arith.constant 1 : i32
      %select_n3A_71 = arith.select %eq3A_69, %jit3A_70, %jit3A_68 : i32
      %rem3A_72 = arith.remsi %scan3A_51, %select_n3A_71 : i32
      %ne3A_73 = arith.constant 0 : i32
      %ne3A_74 = arith.cmpi ne, %rem3A_72, %ne3A_73 : i32
      %lt3A = arith.constant 0 : i32
      %lt3A_75 = arith.cmpi slt, %rem3A_72, %lt3A : i32
      %lt3A_76 = arith.constant 0 : i32
      %lt3A_77 = arith.cmpi slt, %select_n3A_71, %lt3A_76 : i32
      %ne3A_78 = arith.xori %lt3A_75, %lt3A_77 : i1
      %and3A_79 = arith.andi %ne3A_78, %ne3A_74 : i1
      %add3A_80 = arith.addi %rem3A_72, %select_n3A_71 : i32
      %select_n3A_81 = arith.select %and3A_79, %add3A_80, %rem3A_72 : i32
      %mul3A_82 = arith.constant 16 : i32
      %mul3A_83 = arith.muli %select_n3A_81, %mul3A_82 : i32
      %broadcast_in_dim3A = arith.constant 0.000000e+00 : f32
      %broadcast_in_dim3A_84 = vector.broadcast %broadcast_in_dim3A : f32 to vector<16xf32>
      %swap3A = arith.index_cast %select_n3A : i32 to index
      %swap3A_85 = arith.index_cast %mul3A_83 : i32 to index
      %swap3A_86 = tpu.vector_load %arg8[%swap3A, %swap3A_85] {strides = array<i32>} : memref<128x128xf32, #tpu.memory_space<vmem>>, vector<1x16xf32>,
      %swap3A_87 = vector.shape_cast %swap3A_86 : vector<1x16xf32> to vector<16xf32>
      %swap3A_88 = vector.shape_cast %broadcast_in_dim3A_84 : vector<16xf32> to vector<1x16xf32>
      tpu.vector_store %arg8[%swap3A, %swap3A_85], %swap3A_88 {strides = array<i32>} : memref<128x128xf32, #tpu.memory_space<vmem>>, vector<1x16xf32>,
    }
    %scan3A_4 = arith.constant 1024 : i32
    %mul3A_5 = arith.constant 640 : i32
    %mul3A_6 = arith.muli %arg1, %mul3A_5 : i32
    %add3A_7 = arith.constant 0 : i32
    %add3A_8 = arith.addi %mul3A_6, %add3A_7 : i32
    "tpu.region"() ({
      %run_scoped3A = tpu.sem_alloc : memref<!tpu.dma_semaphore, #tpu.memory_space<semaphore_mem>>
      %dma_start3A = arith.constant 0 : i32
      %dma_start3A_51 = tpu.memref_slice %arg10[%add3A_8, %dma_start3A] : memref<10240x128xf32, #tpu.memory_space<vmem_shared>> -> memref<128x128xf32, #tpu.memory_space<vmem_shared>>
      %dma_start3A_52 = arith.constant 0 : i32
      %dma_start3A_53 = tpu.memref_slice %arg10[%add3A_8, %dma_start3A_52] : memref<10240x128xf32, #tpu.memory_space<vmem_shared>> -> memref<128x128xf32, #tpu.memory_space<vmem_shared>>
      tpu.enqueue_dma source(%arg8 : memref<128x128xf32, #tpu.memory_space<vmem>>) target(%dma_start3A_53 : memref<128x128xf32, #tpu.memory_space<vmem_shared>>) target_semaphore(%run_scoped3A : memref<!tpu.dma_semaphore, #tpu.memory_space<semaphore_mem>>)
      %dma_wait3A = arith.constant 0 : i32
      %dma_wait3A_54 = tpu.memref_slice %arg10[%add3A_8, %dma_wait3A] : memref<10240x128xf32, #tpu.memory_space<vmem_shared>> -> memref<128x128xf32, #tpu.memory_space<vmem_shared>>
      %dma_wait3A_55 = arith.constant 0 : i32
      %dma_wait3A_56 = tpu.memref_slice %arg10[%add3A_8, %dma_wait3A_55] : memref<10240x128xf32, #tpu.memory_space<vmem_shared>> -> memref<128x128xf32, #tpu.memory_space<vmem_shared>>
      tpu.wait_dma2 semaphore(%run_scoped3A : memref<!tpu.dma_semaphore, #tpu.memory_space<semaphore_mem>>) src(%arg8 : memref<128x128xf32, #tpu.memory_space<vmem>>) dst(%dma_wait3A_56 : memref<128x128xf32, #tpu.memory_space<vmem_shared>>)
      tpu.yield
    }) : () -> ()
    %mul3A_9 = arith.constant 640 : i32
    %mul3A_10 = arith.muli %arg1, %mul3A_9 : i32
    %add3A_11 = arith.constant 128 : i32
    %add3A_12 = arith.addi %mul3A_10, %add3A_11 : i32
    "tpu.region"() ({
      %run_scoped3A = tpu.sem_alloc : memref<!tpu.dma_semaphore, #tpu.memory_space<semaphore_mem>>
      %dma_start3A = arith.constant 0 : i32
      %dma_start3A_51 = tpu.memref_slice %arg10[%add3A_12, %dma_start3A] : memref<10240x128xf32, #tpu.memory_space<vmem_shared>> -> memref<128x128xf32, #tpu.memory_space<vmem_shared>>
      %dma_start3A_52 = arith.constant 0 : i32
      %dma_start3A_53 = tpu.memref_slice %arg10[%add3A_12, %dma_start3A_52] : memref<10240x128xf32, #tpu.memory_space<vmem_shared>> -> memref<128x128xf32, #tpu.memory_space<vmem_shared>>
      tpu.enqueue_dma source(%arg8 : memref<128x128xf32, #tpu.memory_space<vmem>>) target(%dma_start3A_53 : memref<128x128xf32, #tpu.memory_space<vmem_shared>>) target_semaphore(%run_scoped3A : memref<!tpu.dma_semaphore, #tpu.memory_space<semaphore_mem>>)
      %dma_wait3A = arith.constant 0 : i32
      %dma_wait3A_54 = tpu.memref_slice %arg10[%add3A_12, %dma_wait3A] : memref<10240x128xf32, #tpu.memory_space<vmem_shared>> -> memref<128x128xf32, #tpu.memory_space<vmem_shared>>
      %dma_wait3A_55 = arith.constant 0 : i32
      %dma_wait3A_56 = tpu.memref_slice %arg10[%add3A_12, %dma_wait3A_55] : memref<10240x128xf32, #tpu.memory_space<vmem_shared>> -> memref<128x128xf32, #tpu.memory_space<vmem_shared>>
      tpu.wait_dma2 semaphore(%run_scoped3A : memref<!tpu.dma_semaphore, #tpu.memory_space<semaphore_mem>>) src(%arg8 : memref<128x128xf32, #tpu.memory_space<vmem>>) dst(%dma_wait3A_56 : memref<128x128xf32, #tpu.memory_space<vmem_shared>>)
      tpu.yield
    }) : () -> ()
    %mul3A_13 = arith.constant 640 : i32
    %mul3A_14 = arith.muli %arg1, %mul3A_13 : i32
    %add3A_15 = arith.constant 256 : i32
    %add3A_16 = arith.addi %mul3A_14, %add3A_15 : i32
    "tpu.region"() ({
      %run_scoped3A = tpu.sem_alloc : memref<!tpu.dma_semaphore, #tpu.memory_space<semaphore_mem>>
      %dma_start3A = arith.constant 0 : i32
      %dma_start3A_51 = tpu.memref_slice %arg10[%add3A_16, %dma_start3A] : memref<10240x128xf32, #tpu.memory_space<vmem_shared>> -> memref<128x128xf32, #tpu.memory_space<vmem_shared>>
      %dma_start3A_52 = arith.constant 0 : i32
      %dma_start3A_53 = tpu.memref_slice %arg10[%add3A_16, %dma_start3A_52] : memref<10240x128xf32, #tpu.memory_space<vmem_shared>> -> memref<128x128xf32, #tpu.memory_space<vmem_shared>>
      tpu.enqueue_dma source(%arg8 : memref<128x128xf32, #tpu.memory_space<vmem>>) target(%dma_start3A_53 : memref<128x128xf32, #tpu.memory_space<vmem_shared>>) target_semaphore(%run_scoped3A : memref<!tpu.dma_semaphore, #tpu.memory_space<semaphore_mem>>)
      %dma_wait3A = arith.constant 0 : i32
      %dma_wait3A_54 = tpu.memref_slice %arg10[%add3A_16, %dma_wait3A] : memref<10240x128xf32, #tpu.memory_space<vmem_shared>> -> memref<128x128xf32, #tpu.memory_space<vmem_shared>>
      %dma_wait3A_55 = arith.constant 0 : i32
      %dma_wait3A_56 = tpu.memref_slice %arg10[%add3A_16, %dma_wait3A_55] : memref<10240x128xf32, #tpu.memory_space<vmem_shared>> -> memref<128x128xf32, #tpu.memory_space<vmem_shared>>
      tpu.wait_dma2 semaphore(%run_scoped3A : memref<!tpu.dma_semaphore, #tpu.memory_space<semaphore_mem>>) src(%arg8 : memref<128x128xf32, #tpu.memory_space<vmem>>) dst(%dma_wait3A_56 : memref<128x128xf32, #tpu.memory_space<vmem_shared>>)
      tpu.yield
    }) : () -> ()
    %mul3A_17 = arith.constant 640 : i32
    %mul3A_18 = arith.muli %arg1, %mul3A_17 : i32
    %add3A_19 = arith.constant 384 : i32
    %add3A_20 = arith.addi %mul3A_18, %add3A_19 : i32
    "tpu.region"() ({
      %run_scoped3A = tpu.sem_alloc : memref<!tpu.dma_semaphore, #tpu.memory_space<semaphore_mem>>
      %dma_start3A = arith.constant 0 : i32
      %dma_start3A_51 = tpu.memref_slice %arg10[%add3A_20, %dma_start3A] : memref<10240x128xf32, #tpu.memory_space<vmem_shared>> -> memref<128x128xf32, #tpu.memory_space<vmem_shared>>
      %dma_start3A_52 = arith.constant 0 : i32
      %dma_start3A_53 = tpu.memref_slice %arg10[%add3A_20, %dma_start3A_52] : memref<10240x128xf32, #tpu.memory_space<vmem_shared>> -> memref<128x128xf32, #tpu.memory_space<vmem_shared>>
      tpu.enqueue_dma source(%arg8 : memref<128x128xf32, #tpu.memory_space<vmem>>) target(%dma_start3A_53 : memref<128x128xf32, #tpu.memory_space<vmem_shared>>) target_semaphore(%run_scoped3A : memref<!tpu.dma_semaphore, #tpu.memory_space<semaphore_mem>>)
      %dma_wait3A = arith.constant 0 : i32
      %dma_wait3A_54 = tpu.memref_slice %arg10[%add3A_20, %dma_wait3A] : memref<10240x128xf32, #tpu.memory_space<vmem_shared>> -> memref<128x128xf32, #tpu.memory_space<vmem_shared>>
      %dma_wait3A_55 = arith.constant 0 : i32
      %dma_wait3A_56 = tpu.memref_slice %arg10[%add3A_20, %dma_wait3A_55] : memref<10240x128xf32, #tpu.memory_space<vmem_shared>> -> memref<128x128xf32, #tpu.memory_space<vmem_shared>>
      tpu.wait_dma2 semaphore(%run_scoped3A : memref<!tpu.dma_semaphore, #tpu.memory_space<semaphore_mem>>) src(%arg8 : memref<128x128xf32, #tpu.memory_space<vmem>>) dst(%dma_wait3A_56 : memref<128x128xf32, #tpu.memory_space<vmem_shared>>)
      tpu.yield
    }) : () -> ()
    %mul3A_21 = arith.constant 640 : i32
    %mul3A_22 = arith.muli %arg1, %mul3A_21 : i32
    %add3A_23 = arith.constant 512 : i32
    %add3A_24 = arith.addi %mul3A_22, %add3A_23 : i32
    "tpu.region"() ({
      %run_scoped3A = tpu.sem_alloc : memref<!tpu.dma_semaphore, #tpu.memory_space<semaphore_mem>>
      %dma_start3A = arith.constant 0 : i32
      %dma_start3A_51 = tpu.memref_slice %arg10[%add3A_24, %dma_start3A] : memref<10240x128xf32, #tpu.memory_space<vmem_shared>> -> memref<128x128xf32, #tpu.memory_space<vmem_shared>>
      %dma_start3A_52 = arith.constant 0 : i32
      %dma_start3A_53 = tpu.memref_slice %arg10[%add3A_24, %dma_start3A_52] : memref<10240x128xf32, #tpu.memory_space<vmem_shared>> -> memref<128x128xf32, #tpu.memory_space<vmem_shared>>
      tpu.enqueue_dma source(%arg8 : memref<128x128xf32, #tpu.memory_space<vmem>>) target(%dma_start3A_53 : memref<128x128xf32, #tpu.memory_space<vmem_shared>>) target_semaphore(%run_scoped3A : memref<!tpu.dma_semaphore, #tpu.memory_space<semaphore_mem>>)
      %dma_wait3A = arith.constant 0 : i32
      %dma_wait3A_54 = tpu.memref_slice %arg10[%add3A_24, %dma_wait3A] : memref<10240x128xf32, #tpu.memory_space<vmem_shared>> -> memref<128x128xf32, #tpu.memory_space<vmem_shared>>
      %dma_wait3A_55 = arith.constant 0 : i32
      %dma_wait3A_56 = tpu.memref_slice %arg10[%add3A_24, %dma_wait3A_55] : memref<10240x128xf32, #tpu.memory_space<vmem_shared>> -> memref<128x128xf32, #tpu.memory_space<vmem_shared>>
      tpu.wait_dma2 semaphore(%run_scoped3A : memref<!tpu.dma_semaphore, #tpu.memory_space<semaphore_mem>>) src(%arg8 : memref<128x128xf32, #tpu.memory_space<vmem>>) dst(%dma_wait3A_56 : memref<128x128xf32, #tpu.memory_space<vmem_shared>>)
      tpu.yield
    }) : () -> ()
    %barrier3A = arith.constant 0 : index
    tpu.barrier barrier_id(%barrier3A)
    %scan3A_25 = arith.constant 0 : i32
    %scan3A_26 = arith.constant 40 : i32
    %scan3A_27 = arith.addi %scan3A_25, %scan3A_26 : i32
    %scan3A_28 = arith.constant 1 : i32
    scf.for %scan3A_51 = %scan3A_25 to %scan3A_27 step %scan3A_28  : i32 {
      %mul3A_52 = arith.constant 2 : i32
      %mul3A_53 = arith.muli %scan3A_51, %mul3A_52 : i32
      "tpu.region"() ({
        %run_scoped3A_96 = tpu.sem_alloc : memref<!tpu.dma_semaphore, #tpu.memory_space<semaphore_mem>>
        %dma_start3A_97 = arith.constant 0 : i32
        %dma_start3A_98 = tpu.memref_slice %arg3[%add3A, %mul3A_53, %dma_start3A_97] : memref<32x80x128xi32, #tpu.memory_space<hbm>> -> memref<1x2x128xi32, #tpu.memory_space<hbm>>
        %dma_start3A_99 = tpu.memref_squeeze %dma_start3A_98 : memref<1x2x128xi32, #tpu.memory_space<hbm>> -> memref<2x128xi32, #tpu.memory_space<hbm>>
        %dma_start3A_100 = arith.constant 0 : i32
        %dma_start3A_101 = tpu.memref_slice %arg3[%add3A, %mul3A_53, %dma_start3A_100] : memref<32x80x128xi32, #tpu.memory_space<hbm>> -> memref<1x2x128xi32, #tpu.memory_space<hbm>>
        %dma_start3A_102 = tpu.memref_squeeze %dma_start3A_101 : memref<1x2x128xi32, #tpu.memory_space<hbm>> -> memref<2x128xi32, #tpu.memory_space<hbm>>
        tpu.enqueue_dma source(%dma_start3A_102 : memref<2x128xi32, #tpu.memory_space<hbm>>) target(%arg6 : memref<2x128xi32, #tpu.memory_space<vmem>>) target_semaphore(%run_scoped3A_96 : memref<!tpu.dma_semaphore, #tpu.memory_space<semaphore_mem>>)
        %dma_wait3A_103 = arith.constant 0 : i32
        %dma_wait3A_104 = tpu.memref_slice %arg3[%add3A, %mul3A_53, %dma_wait3A_103] : memref<32x80x128xi32, #tpu.memory_space<hbm>> -> memref<1x2x128xi32, #tpu.memory_space<hbm>>
        %dma_wait3A_105 = tpu.memref_squeeze %dma_wait3A_104 : memref<1x2x128xi32, #tpu.memory_space<hbm>> -> memref<2x128xi32, #tpu.memory_space<hbm>>
        %dma_wait3A_106 = arith.constant 0 : i32
        %dma_wait3A_107 = tpu.memref_slice %arg3[%add3A, %mul3A_53, %dma_wait3A_106] : memref<32x80x128xi32, #tpu.memory_space<hbm>> -> memref<1x2x128xi32, #tpu.memory_space<hbm>>
        %dma_wait3A_108 = tpu.memref_squeeze %dma_wait3A_107 : memref<1x2x128xi32, #tpu.memory_space<hbm>> -> memref<2x128xi32, #tpu.memory_space<hbm>>
        tpu.wait_dma2 semaphore(%run_scoped3A_96 : memref<!tpu.dma_semaphore, #tpu.memory_space<semaphore_mem>>) src(%dma_wait3A_108 : memref<2x128xi32, #tpu.memory_space<hbm>>) dst(%arg6 : memref<2x128xi32, #tpu.memory_space<vmem>>)
        tpu.yield
      }) : () -> ()
      %mul3A_54 = arith.constant 2 : i32
      %mul3A_55 = arith.muli %scan3A_51, %mul3A_54 : i32
      "tpu.region"() ({
        %run_scoped3A_96 = tpu.sem_alloc : memref<!tpu.dma_semaphore, #tpu.memory_space<semaphore_mem>>
        %dma_start3A_97 = arith.constant 0 : i32
        %dma_start3A_98 = tpu.memref_slice %arg4[%add3A, %mul3A_55, %dma_start3A_97] : memref<32x80x128xi32, #tpu.memory_space<hbm>> -> memref<1x2x128xi32, #tpu.memory_space<hbm>>
        %dma_start3A_99 = tpu.memref_squeeze %dma_start3A_98 : memref<1x2x128xi32, #tpu.memory_space<hbm>> -> memref<2x128xi32, #tpu.memory_space<hbm>>
        %dma_start3A_100 = arith.constant 0 : i32
        %dma_start3A_101 = tpu.memref_slice %arg4[%add3A, %mul3A_55, %dma_start3A_100] : memref<32x80x128xi32, #tpu.memory_space<hbm>> -> memref<1x2x128xi32, #tpu.memory_space<hbm>>
        %dma_start3A_102 = tpu.memref_squeeze %dma_start3A_101 : memref<1x2x128xi32, #tpu.memory_space<hbm>> -> memref<2x128xi32, #tpu.memory_space<hbm>>
        tpu.enqueue_dma source(%dma_start3A_102 : memref<2x128xi32, #tpu.memory_space<hbm>>) target(%arg7 : memref<2x128xi32, #tpu.memory_space<vmem>>) target_semaphore(%run_scoped3A_96 : memref<!tpu.dma_semaphore, #tpu.memory_space<semaphore_mem>>)
        %dma_wait3A_103 = arith.constant 0 : i32
        %dma_wait3A_104 = tpu.memref_slice %arg4[%add3A, %mul3A_55, %dma_wait3A_103] : memref<32x80x128xi32, #tpu.memory_space<hbm>> -> memref<1x2x128xi32, #tpu.memory_space<hbm>>
        %dma_wait3A_105 = tpu.memref_squeeze %dma_wait3A_104 : memref<1x2x128xi32, #tpu.memory_space<hbm>> -> memref<2x128xi32, #tpu.memory_space<hbm>>
        %dma_wait3A_106 = arith.constant 0 : i32
        %dma_wait3A_107 = tpu.memref_slice %arg4[%add3A, %mul3A_55, %dma_wait3A_106] : memref<32x80x128xi32, #tpu.memory_space<hbm>> -> memref<1x2x128xi32, #tpu.memory_space<hbm>>
        %dma_wait3A_108 = tpu.memref_squeeze %dma_wait3A_107 : memref<1x2x128xi32, #tpu.memory_space<hbm>> -> memref<2x128xi32, #tpu.memory_space<hbm>>
        tpu.wait_dma2 semaphore(%run_scoped3A_96 : memref<!tpu.dma_semaphore, #tpu.memory_space<semaphore_mem>>) src(%dma_wait3A_108 : memref<2x128xi32, #tpu.memory_space<hbm>>) dst(%arg7 : memref<2x128xi32, #tpu.memory_space<vmem>>)
        tpu.yield
      }) : () -> ()
      %dma_start3A = arith.constant 0 : i32
      %dma_start3A_56 = arith.constant 0 : i32
      %dma_start3A_57 = tpu.memref_slice %arg6[%dma_start3A, %dma_start3A_56] : memref<2x128xi32, #tpu.memory_space<vmem>> -> memref<1x128xi32, #tpu.memory_space<vmem>>
      %dma_start3A_58 = tpu.memref_squeeze %dma_start3A_57 : memref<1x128xi32, #tpu.memory_space<vmem>> -> memref<128xi32, #tpu.memory_space<vmem>>
      %dma_start3A_59 = arith.constant 0 : i32
      %dma_start3A_60 = arith.constant 0 : i32
      %dma_start3A_61 = tpu.memref_slice %arg2[%dma_start3A_59, %dma_start3A_60] : memref<10000x128xf32, #tpu.memory_space<hbm>> -> memref<10000x128xf32, #tpu.memory_space<hbm>>
      tpu.enqueue_indirect_dma source(%dma_start3A_61 : memref<10000x128xf32, #tpu.memory_space<hbm>>) target(%arg8 : memref<128x128xf32, #tpu.memory_space<vmem>>) offsets(%dma_start3A_58 : memref<128xi32, #tpu.memory_space<vmem>>) semaphore(%arg11 : memref<!tpu.dma_semaphore, #tpu.memory_space<semaphore_mem>>)
      %dma_start3A_62 = arith.constant 1 : i32
      %dma_start3A_63 = arith.constant 0 : i32
      %dma_start3A_64 = tpu.memref_slice %arg6[%dma_start3A_62, %dma_start3A_63] : memref<2x128xi32, #tpu.memory_space<vmem>> -> memref<1x128xi32, #tpu.memory_space<vmem>>
      %dma_start3A_65 = tpu.memref_squeeze %dma_start3A_64 : memref<1x128xi32, #tpu.memory_space<vmem>> -> memref<128xi32, #tpu.memory_space<vmem>>
      %dma_start3A_66 = arith.constant 0 : i32
      %dma_start3A_67 = arith.constant 0 : i32
      %dma_start3A_68 = tpu.memref_slice %arg2[%dma_start3A_66, %dma_start3A_67] : memref<10000x128xf32, #tpu.memory_space<hbm>> -> memref<10000x128xf32, #tpu.memory_space<hbm>>
      tpu.enqueue_indirect_dma source(%dma_start3A_68 : memref<10000x128xf32, #tpu.memory_space<hbm>>) target(%arg9 : memref<128x128xf32, #tpu.memory_space<vmem>>) offsets(%dma_start3A_65 : memref<128xi32, #tpu.memory_space<vmem>>) semaphore(%arg12 : memref<!tpu.dma_semaphore, #tpu.memory_space<semaphore_mem>>)
      %dma_wait3A = arith.constant 0 : i32
      %dma_wait3A_69 = arith.constant 0 : i32
      %dma_wait3A_70 = tpu.memref_slice %arg6[%dma_wait3A, %dma_wait3A_69] : memref<2x128xi32, #tpu.memory_space<vmem>> -> memref<1x128xi32, #tpu.memory_space<vmem>>
      %dma_wait3A_71 = tpu.memref_squeeze %dma_wait3A_70 : memref<1x128xi32, #tpu.memory_space<vmem>> -> memref<128xi32, #tpu.memory_space<vmem>>
      %dma_wait3A_72 = arith.constant 0 : i32
      %dma_wait3A_73 = arith.constant 0 : i32
      %dma_wait3A_74 = tpu.memref_slice %arg2[%dma_wait3A_72, %dma_wait3A_73] : memref<10000x128xf32, #tpu.memory_space<hbm>> -> memref<10000x128xf32, #tpu.memory_space<hbm>>
      tpu.wait_indirect_dma semaphore(%arg11 : memref<!tpu.dma_semaphore, #tpu.memory_space<semaphore_mem>>) src(%dma_wait3A_74 : memref<10000x128xf32, #tpu.memory_space<hbm>>) dst(%arg8 : memref<128x128xf32, #tpu.memory_space<vmem>>)
      %dma_start3A_75 = arith.constant 0 : i32
      %dma_start3A_76 = arith.constant 0 : i32
      %dma_start3A_77 = tpu.memref_slice %arg7[%dma_start3A_75, %dma_start3A_76] : memref<2x128xi32, #tpu.memory_space<vmem>> -> memref<1x128xi32, #tpu.memory_space<vmem>>
      %dma_start3A_78 = tpu.memref_squeeze %dma_start3A_77 : memref<1x128xi32, #tpu.memory_space<vmem>> -> memref<128xi32, #tpu.memory_space<vmem>>
      %dma_start3A_79 = arith.constant 0 : i32
      %dma_start3A_80 = arith.constant 0 : i32
      %dma_start3A_81 = tpu.memref_slice %arg10[%dma_start3A_79, %dma_start3A_80] : memref<10240x128xf32, #tpu.memory_space<vmem_shared>> -> memref<10240x128xf32, #tpu.memory_space<vmem_shared>>
      tpu.enqueue_indirect_dma source(%arg8 : memref<128x128xf32, #tpu.memory_space<vmem>>) target(%dma_start3A_81 : memref<10240x128xf32, #tpu.memory_space<vmem_shared>>) offsets(%dma_start3A_78 : memref<128xi32, #tpu.memory_space<vmem>>) semaphore(%arg13 : memref<!tpu.dma_semaphore, #tpu.memory_space<semaphore_mem>>) {add = true}
      %dma_wait3A_82 = arith.constant 1 : i32
      %dma_wait3A_83 = arith.constant 0 : i32
      %dma_wait3A_84 = tpu.memref_slice %arg6[%dma_wait3A_82, %dma_wait3A_83] : memref<2x128xi32, #tpu.memory_space<vmem>> -> memref<1x128xi32, #tpu.memory_space<vmem>>
      %dma_wait3A_85 = tpu.memref_squeeze %dma_wait3A_84 : memref<1x128xi32, #tpu.memory_space<vmem>> -> memref<128xi32, #tpu.memory_space<vmem>>
      %dma_wait3A_86 = arith.constant 0 : i32
      %dma_wait3A_87 = arith.constant 0 : i32
      %dma_wait3A_88 = tpu.memref_slice %arg2[%dma_wait3A_86, %dma_wait3A_87] : memref<10000x128xf32, #tpu.memory_space<hbm>> -> memref<10000x128xf32, #tpu.memory_space<hbm>>
      tpu.wait_indirect_dma semaphore(%arg12 : memref<!tpu.dma_semaphore, #tpu.memory_space<semaphore_mem>>) src(%dma_wait3A_88 : memref<10000x128xf32, #tpu.memory_space<hbm>>) dst(%arg9 : memref<128x128xf32, #tpu.memory_space<vmem>>)
      %run_scoped3A = arith.constant 1 : i32
      "tpu.region"() ({
        %run_scoped3A_96 = tpu.sem_alloc : memref<!tpu.dma_semaphore, #tpu.memory_space<semaphore_mem>>
        %dma_start3A_97 = arith.constant 0 : i32
        %dma_start3A_98 = tpu.memref_slice %arg7[%run_scoped3A, %dma_start3A_97] : memref<2x128xi32, #tpu.memory_space<vmem>> -> memref<1x128xi32, #tpu.memory_space<vmem>>
        %dma_start3A_99 = tpu.memref_squeeze %dma_start3A_98 : memref<1x128xi32, #tpu.memory_space<vmem>> -> memref<128xi32, #tpu.memory_space<vmem>>
        %dma_start3A_100 = arith.constant 0 : i32
        %dma_start3A_101 = arith.constant 0 : i32
        %dma_start3A_102 = tpu.memref_slice %arg10[%dma_start3A_100, %dma_start3A_101] : memref<10240x128xf32, #tpu.memory_space<vmem_shared>> -> memref<10240x128xf32, #tpu.memory_space<vmem_shared>>
        tpu.enqueue_indirect_dma source(%arg9 : memref<128x128xf32, #tpu.memory_space<vmem>>) target(%dma_start3A_102 : memref<10240x128xf32, #tpu.memory_space<vmem_shared>>) offsets(%dma_start3A_99 : memref<128xi32, #tpu.memory_space<vmem>>) semaphore(%run_scoped3A_96 : memref<!tpu.dma_semaphore, #tpu.memory_space<semaphore_mem>>) {add = true}
        %dma_wait3A_103 = arith.constant 0 : i32
        %dma_wait3A_104 = tpu.memref_slice %arg7[%run_scoped3A, %dma_wait3A_103] : memref<2x128xi32, #tpu.memory_space<vmem>> -> memref<1x128xi32, #tpu.memory_space<vmem>>
        %dma_wait3A_105 = tpu.memref_squeeze %dma_wait3A_104 : memref<1x128xi32, #tpu.memory_space<vmem>> -> memref<128xi32, #tpu.memory_space<vmem>>
        %dma_wait3A_106 = arith.constant 0 : i32
        %dma_wait3A_107 = arith.constant 0 : i32
        %dma_wait3A_108 = tpu.memref_slice %arg10[%dma_wait3A_106, %dma_wait3A_107] : memref<10240x128xf32, #tpu.memory_space<vmem_shared>> -> memref<10240x128xf32, #tpu.memory_space<vmem_shared>>
        tpu.wait_indirect_dma semaphore(%run_scoped3A_96 : memref<!tpu.dma_semaphore, #tpu.memory_space<semaphore_mem>>) src(%arg9 : memref<128x128xf32, #tpu.memory_space<vmem>>) dst(%dma_wait3A_108 : memref<10240x128xf32, #tpu.memory_space<vmem_shared>>)
        tpu.yield
      }) : () -> ()
      %dma_wait3A_89 = arith.constant 0 : i32
      %dma_wait3A_90 = arith.constant 0 : i32
      %dma_wait3A_91 = tpu.memref_slice %arg7[%dma_wait3A_89, %dma_wait3A_90] : memref<2x128xi32, #tpu.memory_space<vmem>> -> memref<1x128xi32, #tpu.memory_space<vmem>>
      %dma_wait3A_92 = tpu.memref_squeeze %dma_wait3A_91 : memref<1x128xi32, #tpu.memory_space<vmem>> -> memref<128xi32, #tpu.memory_space<vmem>>
      %dma_wait3A_93 = arith.constant 0 : i32
      %dma_wait3A_94 = arith.constant 0 : i32
      %dma_wait3A_95 = tpu.memref_slice %arg10[%dma_wait3A_93, %dma_wait3A_94] : memref<10240x128xf32, #tpu.memory_space<vmem_shared>> -> memref<10240x128xf32, #tpu.memory_space<vmem_shared>>
      tpu.wait_indirect_dma semaphore(%arg13 : memref<!tpu.dma_semaphore, #tpu.memory_space<semaphore_mem>>) src(%arg8 : memref<128x128xf32, #tpu.memory_space<vmem>>) dst(%dma_wait3A_95 : memref<10240x128xf32, #tpu.memory_space<vmem_shared>>)
    }
    %scan3A_29 = arith.constant 40 : i32
    %barrier3A_30 = arith.constant 0 : index
    tpu.barrier barrier_id(%barrier3A_30)
    %mul3A_31 = arith.constant 640 : i32
    %mul3A_32 = arith.muli %arg1, %mul3A_31 : i32
    %add3A_33 = arith.constant 0 : i32
    %add3A_34 = arith.addi %mul3A_32, %add3A_33 : i32
    "tpu.region"() ({
      %run_scoped3A = tpu.sem_alloc : memref<!tpu.dma_semaphore, #tpu.memory_space<semaphore_mem>>
      %dma_start3A = arith.constant 0 : i32
      %dma_start3A_51 = tpu.memref_slice %arg5[%arg0, %add3A_34, %dma_start3A] : memref<2x10240x128xf32, #tpu.memory_space<hbm>> -> memref<1x128x128xf32, #tpu.memory_space<hbm>>
      %dma_start3A_52 = tpu.memref_squeeze %dma_start3A_51 : memref<1x128x128xf32, #tpu.memory_space<hbm>> -> memref<128x128xf32, #tpu.memory_space<hbm>>
      %dma_start3A_53 = arith.constant 0 : i32
      %dma_start3A_54 = tpu.memref_slice %arg10[%add3A_34, %dma_start3A_53] : memref<10240x128xf32, #tpu.memory_space<vmem_shared>> -> memref<128x128xf32, #tpu.memory_space<vmem_shared>>
      tpu.enqueue_dma source(%dma_start3A_54 : memref<128x128xf32, #tpu.memory_space<vmem_shared>>) target(%dma_start3A_52 : memref<128x128xf32, #tpu.memory_space<hbm>>) target_semaphore(%run_scoped3A : memref<!tpu.dma_semaphore, #tpu.memory_space<semaphore_mem>>)
      %dma_wait3A = arith.constant 0 : i32
      %dma_wait3A_55 = tpu.memref_slice %arg5[%arg0, %add3A_34, %dma_wait3A] : memref<2x10240x128xf32, #tpu.memory_space<hbm>> -> memref<1x128x128xf32, #tpu.memory_space<hbm>>
      %dma_wait3A_56 = tpu.memref_squeeze %dma_wait3A_55 : memref<1x128x128xf32, #tpu.memory_space<hbm>> -> memref<128x128xf32, #tpu.memory_space<hbm>>
      %dma_wait3A_57 = arith.constant 0 : i32
      %dma_wait3A_58 = tpu.memref_slice %arg10[%add3A_34, %dma_wait3A_57] : memref<10240x128xf32, #tpu.memory_space<vmem_shared>> -> memref<128x128xf32, #tpu.memory_space<vmem_shared>>
      tpu.wait_dma2 semaphore(%run_scoped3A : memref<!tpu.dma_semaphore, #tpu.memory_space<semaphore_mem>>) src(%dma_wait3A_58 : memref<128x128xf32, #tpu.memory_space<vmem_shared>>) dst(%dma_wait3A_56 : memref<128x128xf32, #tpu.memory_space<hbm>>)
      tpu.yield
    }) : () -> ()
    %mul3A_35 = arith.constant 640 : i32
    %mul3A_36 = arith.muli %arg1, %mul3A_35 : i32
    %add3A_37 = arith.constant 128 : i32
    %add3A_38 = arith.addi %mul3A_36, %add3A_37 : i32
    "tpu.region"() ({
      %run_scoped3A = tpu.sem_alloc : memref<!tpu.dma_semaphore, #tpu.memory_space<semaphore_mem>>
      %dma_start3A = arith.constant 0 : i32
      %dma_start3A_51 = tpu.memref_slice %arg5[%arg0, %add3A_38, %dma_start3A] : memref<2x10240x128xf32, #tpu.memory_space<hbm>> -> memref<1x128x128xf32, #tpu.memory_space<hbm>>
      %dma_start3A_52 = tpu.memref_squeeze %dma_start3A_51 : memref<1x128x128xf32, #tpu.memory_space<hbm>> -> memref<128x128xf32, #tpu.memory_space<hbm>>
      %dma_start3A_53 = arith.constant 0 : i32
      %dma_start3A_54 = tpu.memref_slice %arg10[%add3A_38, %dma_start3A_53] : memref<10240x128xf32, #tpu.memory_space<vmem_shared>> -> memref<128x128xf32, #tpu.memory_space<vmem_shared>>
      tpu.enqueue_dma source(%dma_start3A_54 : memref<128x128xf32, #tpu.memory_space<vmem_shared>>) target(%dma_start3A_52 : memref<128x128xf32, #tpu.memory_space<hbm>>) target_semaphore(%run_scoped3A : memref<!tpu.dma_semaphore, #tpu.memory_space<semaphore_mem>>)
      %dma_wait3A = arith.constant 0 : i32
      %dma_wait3A_55 = tpu.memref_slice %arg5[%arg0, %add3A_38, %dma_wait3A] : memref<2x10240x128xf32, #tpu.memory_space<hbm>> -> memref<1x128x128xf32, #tpu.memory_space<hbm>>
      %dma_wait3A_56 = tpu.memref_squeeze %dma_wait3A_55 : memref<1x128x128xf32, #tpu.memory_space<hbm>> -> memref<128x128xf32, #tpu.memory_space<hbm>>
      %dma_wait3A_57 = arith.constant 0 : i32
      %dma_wait3A_58 = tpu.memref_slice %arg10[%add3A_38, %dma_wait3A_57] : memref<10240x128xf32, #tpu.memory_space<vmem_shared>> -> memref<128x128xf32, #tpu.memory_space<vmem_shared>>
      tpu.wait_dma2 semaphore(%run_scoped3A : memref<!tpu.dma_semaphore, #tpu.memory_space<semaphore_mem>>) src(%dma_wait3A_58 : memref<128x128xf32, #tpu.memory_space<vmem_shared>>) dst(%dma_wait3A_56 : memref<128x128xf32, #tpu.memory_space<hbm>>)
      tpu.yield
    }) : () -> ()
    %mul3A_39 = arith.constant 640 : i32
    %mul3A_40 = arith.muli %arg1, %mul3A_39 : i32
    %add3A_41 = arith.constant 256 : i32
    %add3A_42 = arith.addi %mul3A_40, %add3A_41 : i32
    "tpu.region"() ({
      %run_scoped3A = tpu.sem_alloc : memref<!tpu.dma_semaphore, #tpu.memory_space<semaphore_mem>>
      %dma_start3A = arith.constant 0 : i32
      %dma_start3A_51 = tpu.memref_slice %arg5[%arg0, %add3A_42, %dma_start3A] : memref<2x10240x128xf32, #tpu.memory_space<hbm>> -> memref<1x128x128xf32, #tpu.memory_space<hbm>>
      %dma_start3A_52 = tpu.memref_squeeze %dma_start3A_51 : memref<1x128x128xf32, #tpu.memory_space<hbm>> -> memref<128x128xf32, #tpu.memory_space<hbm>>
      %dma_start3A_53 = arith.constant 0 : i32
      %dma_start3A_54 = tpu.memref_slice %arg10[%add3A_42, %dma_start3A_53] : memref<10240x128xf32, #tpu.memory_space<vmem_shared>> -> memref<128x128xf32, #tpu.memory_space<vmem_shared>>
      tpu.enqueue_dma source(%dma_start3A_54 : memref<128x128xf32, #tpu.memory_space<vmem_shared>>) target(%dma_start3A_52 : memref<128x128xf32, #tpu.memory_space<hbm>>) target_semaphore(%run_scoped3A : memref<!tpu.dma_semaphore, #tpu.memory_space<semaphore_mem>>)
      %dma_wait3A = arith.constant 0 : i32
      %dma_wait3A_55 = tpu.memref_slice %arg5[%arg0, %add3A_42, %dma_wait3A] : memref<2x10240x128xf32, #tpu.memory_space<hbm>> -> memref<1x128x128xf32, #tpu.memory_space<hbm>>
      %dma_wait3A_56 = tpu.memref_squeeze %dma_wait3A_55 : memref<1x128x128xf32, #tpu.memory_space<hbm>> -> memref<128x128xf32, #tpu.memory_space<hbm>>
      %dma_wait3A_57 = arith.constant 0 : i32
      %dma_wait3A_58 = tpu.memref_slice %arg10[%add3A_42, %dma_wait3A_57] : memref<10240x128xf32, #tpu.memory_space<vmem_shared>> -> memref<128x128xf32, #tpu.memory_space<vmem_shared>>
      tpu.wait_dma2 semaphore(%run_scoped3A : memref<!tpu.dma_semaphore, #tpu.memory_space<semaphore_mem>>) src(%dma_wait3A_58 : memref<128x128xf32, #tpu.memory_space<vmem_shared>>) dst(%dma_wait3A_56 : memref<128x128xf32, #tpu.memory_space<hbm>>)
      tpu.yield
    }) : () -> ()
    %mul3A_43 = arith.constant 640 : i32
    %mul3A_44 = arith.muli %arg1, %mul3A_43 : i32
    %add3A_45 = arith.constant 384 : i32
    %add3A_46 = arith.addi %mul3A_44, %add3A_45 : i32
    "tpu.region"() ({
      %run_scoped3A = tpu.sem_alloc : memref<!tpu.dma_semaphore, #tpu.memory_space<semaphore_mem>>
      %dma_start3A = arith.constant 0 : i32
      %dma_start3A_51 = tpu.memref_slice %arg5[%arg0, %add3A_46, %dma_start3A] : memref<2x10240x128xf32, #tpu.memory_space<hbm>> -> memref<1x128x128xf32, #tpu.memory_space<hbm>>
      %dma_start3A_52 = tpu.memref_squeeze %dma_start3A_51 : memref<1x128x128xf32, #tpu.memory_space<hbm>> -> memref<128x128xf32, #tpu.memory_space<hbm>>
      %dma_start3A_53 = arith.constant 0 : i32
      %dma_start3A_54 = tpu.memref_slice %arg10[%add3A_46, %dma_start3A_53] : memref<10240x128xf32, #tpu.memory_space<vmem_shared>> -> memref<128x128xf32, #tpu.memory_space<vmem_shared>>
      tpu.enqueue_dma source(%dma_start3A_54 : memref<128x128xf32, #tpu.memory_space<vmem_shared>>) target(%dma_start3A_52 : memref<128x128xf32, #tpu.memory_space<hbm>>) target_semaphore(%run_scoped3A : memref<!tpu.dma_semaphore, #tpu.memory_space<semaphore_mem>>)
      %dma_wait3A = arith.constant 0 : i32
      %dma_wait3A_55 = tpu.memref_slice %arg5[%arg0, %add3A_46, %dma_wait3A] : memref<2x10240x128xf32, #tpu.memory_space<hbm>> -> memref<1x128x128xf32, #tpu.memory_space<hbm>>
      %dma_wait3A_56 = tpu.memref_squeeze %dma_wait3A_55 : memref<1x128x128xf32, #tpu.memory_space<hbm>> -> memref<128x128xf32, #tpu.memory_space<hbm>>
      %dma_wait3A_57 = arith.constant 0 : i32
      %dma_wait3A_58 = tpu.memref_slice %arg10[%add3A_46, %dma_wait3A_57] : memref<10240x128xf32, #tpu.memory_space<vmem_shared>> -> memref<128x128xf32, #tpu.memory_space<vmem_shared>>
      tpu.wait_dma2 semaphore(%run_scoped3A : memref<!tpu.dma_semaphore, #tpu.memory_space<semaphore_mem>>) src(%dma_wait3A_58 : memref<128x128xf32, #tpu.memory_space<vmem_shared>>) dst(%dma_wait3A_56 : memref<128x128xf32, #tpu.memory_space<hbm>>)
      tpu.yield
    }) : () -> ()
    %mul3A_47 = arith.constant 640 : i32
    %mul3A_48 = arith.muli %arg1, %mul3A_47 : i32
    %add3A_49 = arith.constant 512 : i32
    %add3A_50 = arith.addi %mul3A_48, %add3A_49 : i32
    "tpu.region"() ({
      %run_scoped3A = tpu.sem_alloc : memref<!tpu.dma_semaphore, #tpu.memory_space<semaphore_mem>>
      %dma_start3A = arith.constant 0 : i32
      %dma_start3A_51 = tpu.memref_slice %arg5[%arg0, %add3A_50, %dma_start3A] : memref<2x10240x128xf32, #tpu.memory_space<hbm>> -> memref<1x128x128xf32, #tpu.memory_space<hbm>>
      %dma_start3A_52 = tpu.memref_squeeze %dma_start3A_51 : memref<1x128x128xf32, #tpu.memory_space<hbm>> -> memref<128x128xf32, #tpu.memory_space<hbm>>
      %dma_start3A_53 = arith.constant 0 : i32
      %dma_start3A_54 = tpu.memref_slice %arg10[%add3A_50, %dma_start3A_53] : memref<10240x128xf32, #tpu.memory_space<vmem_shared>> -> memref<128x128xf32, #tpu.memory_space<vmem_shared>>
      tpu.enqueue_dma source(%dma_start3A_54 : memref<128x128xf32, #tpu.memory_space<vmem_shared>>) target(%dma_start3A_52 : memref<128x128xf32, #tpu.memory_space<hbm>>) target_semaphore(%run_scoped3A : memref<!tpu.dma_semaphore, #tpu.memory_space<semaphore_mem>>)
      %dma_wait3A = arith.constant 0 : i32
      %dma_wait3A_55 = tpu.memref_slice %arg5[%arg0, %add3A_50, %dma_wait3A] : memref<2x10240x128xf32, #tpu.memory_space<hbm>> -> memref<1x128x128xf32, #tpu.memory_space<hbm>>
      %dma_wait3A_56 = tpu.memref_squeeze %dma_wait3A_55 : memref<1x128x128xf32, #tpu.memory_space<hbm>> -> memref<128x128xf32, #tpu.memory_space<hbm>>
      %dma_wait3A_57 = arith.constant 0 : i32
      %dma_wait3A_58 = tpu.memref_slice %arg10[%add3A_50, %dma_wait3A_57] : memref<10240x128xf32, #tpu.memory_space<vmem_shared>> -> memref<128x128xf32, #tpu.memory_space<vmem_shared>>
      tpu.wait_dma2 semaphore(%run_scoped3A : memref<!tpu.dma_semaphore, #tpu.memory_space<semaphore_mem>>) src(%dma_wait3A_58 : memref<128x128xf32, #tpu.memory_space<vmem_shared>>) dst(%dma_wait3A_56 : memref<128x128xf32, #tpu.memory_space<hbm>>)
      tpu.yield
    }) : () -> ()
    return
  }
}

module attributes {stable_mosaic.version = 14 : i64} {
  func.func @_tc_pre_body(%arg0: memref<10000x128xf32, #tpu.memory_space<vmem>>, %arg1: memref<128x128xf32, #tpu.memory_space<vmem>>, %arg2: memref<128x128xf32, #tpu.memory_space<vmem>>, %arg3: memref<1x128xf32, #tpu.memory_space<vmem>>, %arg4: memref<10000x128xf32, #tpu.memory_space<vmem>>, %arg5: memref<10000x128xf32, #tpu.memory_space<vmem>>) attributes {dimension_semantics = [], scalar_prefetch = 0 : i64, scratch_operands = 0 : i64, tpu.core_type = #tpu.core_type<tc>} {
    %get3A = arith.constant 0 : index
    %get3A_0 = arith.constant 0 : index
    %get3A_1 = vector.load %arg0[%get3A, %get3A_0] : memref<10000x128xf32, #tpu.memory_space<vmem>>, vector<10000x128xf32>
    %get3A_2 = arith.constant 0 : index
    %get3A_3 = arith.constant 0 : index
    %get3A_4 = vector.load %arg1[%get3A_2, %get3A_3] : memref<128x128xf32, #tpu.memory_space<vmem>>, vector<128x128xf32>
    %dot_general3A = arith.constant dense<0.000000e+00> : vector<10000x128xf32>
    %dot_general3A_5 = tpu.matmul %get3A_1, %get3A_4, %dot_general3A {dimension_numbers = #tpu.dot_dimension_numbers<[1], [1], [0], [0], [0, 0, 1, 0], [], []>, transpose_lhs_hint = false} : vector<10000x128xf32>, vector<128x128xf32>, vector<10000x128xf32> -> vector<10000x128xf32>
    %swap3A = arith.constant 0 : index
    %swap3A_6 = arith.constant 0 : index
    %swap3A_7 = vector.load %arg4[%swap3A, %swap3A_6] : memref<10000x128xf32, #tpu.memory_space<vmem>>, vector<10000x128xf32>
    tpu.vector_store %arg4[%swap3A, %swap3A_6], %dot_general3A_5 {strides = array<i32>} : memref<10000x128xf32, #tpu.memory_space<vmem>>, vector<10000x128xf32>,
    %get3A_8 = arith.constant 0 : index
    %get3A_9 = arith.constant 0 : index
    %get3A_10 = vector.load %arg2[%get3A_8, %get3A_9] : memref<128x128xf32, #tpu.memory_space<vmem>>, vector<128x128xf32>
    %dot_general3A_11 = arith.constant dense<0.000000e+00> : vector<10000x128xf32>
    %dot_general3A_12 = tpu.matmul %get3A_1, %get3A_10, %dot_general3A_11 {dimension_numbers = #tpu.dot_dimension_numbers<[1], [1], [0], [0], [0, 0, 1, 0], [], []>, transpose_lhs_hint = false} : vector<10000x128xf32>, vector<128x128xf32>, vector<10000x128xf32> -> vector<10000x128xf32>
    %get3A_13 = arith.constant 0 : index
    %get3A_14 = arith.constant 0 : index
    %get3A_15 = vector.load %arg3[%get3A_13, %get3A_14] : memref<1x128xf32, #tpu.memory_space<vmem>>, vector<1x128xf32>
    %add3A = vector.broadcast %get3A_15 : vector<1x128xf32> to vector<10000x128xf32>
    %add3A_16 = arith.addf %dot_general3A_12, %add3A : vector<10000x128xf32>
    %swap3A_17 = arith.constant 0 : index
    %swap3A_18 = arith.constant 0 : index
    %swap3A_19 = vector.load %arg5[%swap3A_17, %swap3A_18] : memref<10000x128xf32, #tpu.memory_space<vmem>>, vector<10000x128xf32>
    tpu.vector_store %arg5[%swap3A_17, %swap3A_18], %add3A_16 {strides = array<i32>} : memref<10000x128xf32, #tpu.memory_space<vmem>>, vector<10000x128xf32>,
    return
  }
}

module attributes {stable_mosaic.version = 14 : i64} {
  func.func @_tc_mid_body(%arg0: memref<2x10240x128xf32, #tpu.memory_space<vmem>>, %arg1: memref<2x10240x1xf32, #tpu.memory_space<vmem>>, %arg2: memref<10000x128xf32, #tpu.memory_space<vmem>>, %arg3: memref<1x128xf32, #tpu.memory_space<vmem>>, %arg4: memref<1x128xf32, #tpu.memory_space<vmem>>, %arg5: memref<128x128xf32, #tpu.memory_space<vmem>>, %arg6: memref<128x128xf32, #tpu.memory_space<vmem>>, %arg7: memref<1x128xf32, #tpu.memory_space<vmem>>, %arg8: memref<10000x128xf32, #tpu.memory_space<vmem>>, %arg9: memref<10000x128xf32, #tpu.memory_space<vmem>>) attributes {dimension_semantics = [], scalar_prefetch = 0 : i64, scratch_operands = 0 : i64, tpu.core_type = #tpu.core_type<tc>} {
    %get3A = arith.constant 0 : index
    %get3A_0 = arith.constant 0 : index
    %get3A_1 = arith.constant 0 : index
    %get3A_2 = vector.load %arg0[%get3A, %get3A_0, %get3A_1] : memref<2x10240x128xf32, #tpu.memory_space<vmem>>, vector<1x10000x128xf32>
    %get3A_3 = vector.shape_cast %get3A_2 : vector<1x10000x128xf32> to vector<10000x128xf32>
    %get3A_4 = arith.constant 1 : index
    %get3A_5 = arith.constant 0 : index
    %get3A_6 = arith.constant 0 : index
    %get3A_7 = vector.load %arg0[%get3A_4, %get3A_5, %get3A_6] : memref<2x10240x128xf32, #tpu.memory_space<vmem>>, vector<1x10000x128xf32>
    %get3A_8 = vector.shape_cast %get3A_7 : vector<1x10000x128xf32> to vector<10000x128xf32>
    %add3A = arith.addf %get3A_3, %get3A_8 : vector<10000x128xf32>
    %get3A_9 = arith.constant 0 : index
    %get3A_10 = arith.constant 0 : index
    %get3A_11 = arith.constant 0 : index
    %get3A_12 = vector.load %arg1[%get3A_9, %get3A_10, %get3A_11] : memref<2x10240x1xf32, #tpu.memory_space<vmem>>, vector<1x10000x1xf32>
    %get3A_13 = vector.shape_cast %get3A_12 : vector<1x10000x1xf32> to vector<10000x1xf32>
    %get3A_14 = arith.constant 1 : index
    %get3A_15 = arith.constant 0 : index
    %get3A_16 = arith.constant 0 : index
    %get3A_17 = vector.load %arg1[%get3A_14, %get3A_15, %get3A_16] : memref<2x10240x1xf32, #tpu.memory_space<vmem>>, vector<1x10000x1xf32>
    %get3A_18 = vector.shape_cast %get3A_17 : vector<1x10000x1xf32> to vector<10000x1xf32>
    %add3A_19 = arith.addf %get3A_13, %get3A_18 : vector<10000x1xf32>
    %max3A = arith.constant 1.000000e+00 : f32
    %max3A_20 = vector.broadcast %max3A : f32 to vector<10000x1xf32>
    %max3A_21 = arith.maximumf %add3A_19, %max3A_20 : vector<10000x1xf32>
    %div3A = vector.broadcast %max3A_21 : vector<10000x1xf32> to vector<10000x128xf32>
    %div3A_22 = arith.divf %add3A, %div3A : vector<10000x128xf32>
    %get3A_23 = arith.constant 0 : index
    %get3A_24 = arith.constant 0 : index
    %get3A_25 = vector.load %arg2[%get3A_23, %get3A_24] : memref<10000x128xf32, #tpu.memory_space<vmem>>, vector<10000x128xf32>
    %add3A_26 = arith.addf %div3A_22, %get3A_25 : vector<10000x128xf32>
    %get3A_27 = arith.constant 0 : index
    %get3A_28 = arith.constant 0 : index
    %get3A_29 = vector.load %arg3[%get3A_27, %get3A_28] : memref<1x128xf32, #tpu.memory_space<vmem>>, vector<1x128xf32>
    %get3A_30 = arith.constant 0 : index
    %get3A_31 = arith.constant 0 : index
    %get3A_32 = vector.load %arg4[%get3A_30, %get3A_31] : memref<1x128xf32, #tpu.memory_space<vmem>>, vector<1x128xf32>
    %reduce_sum3A = arith.constant dense<0.000000e+00> : vector<128xf32>
    %reduce_sum3A_33 = vector.multi_reduction <add>, %add3A_26, %reduce_sum3A [0] : vector<10000x128xf32> to vector<128xf32>
    %broadcast_in_dim3A = vector.shape_cast %reduce_sum3A_33 : vector<128xf32> to vector<1x128xf32>
    %div3A_34 = arith.constant 1.000000e+04 : f32
    %div3A_35 = vector.broadcast %div3A_34 : f32 to vector<1x128xf32>
    %div3A_36 = arith.divf %broadcast_in_dim3A, %div3A_35 : vector<1x128xf32>
    %sub3A = vector.broadcast %div3A_36 : vector<1x128xf32> to vector<10000x128xf32>
    %sub3A_37 = arith.subf %add3A_26, %sub3A : vector<10000x128xf32>
    %integer_pow3A = arith.mulf %sub3A_37, %sub3A_37 : vector<10000x128xf32>
    %reduce_sum3A_38 = arith.constant dense<0.000000e+00> : vector<128xf32>
    %reduce_sum3A_39 = vector.multi_reduction <add>, %integer_pow3A, %reduce_sum3A_38 [0] : vector<10000x128xf32> to vector<128xf32>
    %broadcast_in_dim3A_40 = vector.shape_cast %reduce_sum3A_39 : vector<128xf32> to vector<1x128xf32>
    %div3A_41 = arith.constant 1.000000e+04 : f32
    %div3A_42 = vector.broadcast %div3A_41 : f32 to vector<1x128xf32>
    %div3A_43 = arith.divf %broadcast_in_dim3A_40, %div3A_42 : vector<1x128xf32>
    %sub3A_44 = vector.broadcast %div3A_36 : vector<1x128xf32> to vector<10000x128xf32>
    %sub3A_45 = arith.subf %add3A_26, %sub3A_44 : vector<10000x128xf32>
    %mul3A = vector.broadcast %get3A_29 : vector<1x128xf32> to vector<10000x128xf32>
    %mul3A_46 = arith.mulf %mul3A, %sub3A_45 : vector<10000x128xf32>
    %add3A_47 = arith.constant 9.99999974E-6 : f32
    %add3A_48 = vector.broadcast %add3A_47 : f32 to vector<1x128xf32>
    %add3A_49 = arith.addf %div3A_43, %add3A_48 : vector<1x128xf32>
    %rsqrt3A = math.rsqrt %add3A_49 : vector<1x128xf32>
    %mul3A_50 = vector.broadcast %rsqrt3A : vector<1x128xf32> to vector<10000x128xf32>
    %mul3A_51 = arith.mulf %mul3A_46, %mul3A_50 : vector<10000x128xf32>
    %add3A_52 = vector.broadcast %get3A_32 : vector<1x128xf32> to vector<10000x128xf32>
    %add3A_53 = arith.addf %mul3A_51, %add3A_52 : vector<10000x128xf32>
    %max3A_54 = arith.constant 0.000000e+00 : f32
    %max3A_55 = vector.broadcast %max3A_54 : f32 to vector<10000x128xf32>
    %max3A_56 = arith.maximumf %add3A_53, %max3A_55 : vector<10000x128xf32>
    %get3A_57 = arith.constant 0 : index
    %get3A_58 = arith.constant 0 : index
    %get3A_59 = vector.load %arg5[%get3A_57, %get3A_58] : memref<128x128xf32, #tpu.memory_space<vmem>>, vector<128x128xf32>
    %dot_general3A = arith.constant dense<0.000000e+00> : vector<10000x128xf32>
    %dot_general3A_60 = tpu.matmul %max3A_56, %get3A_59, %dot_general3A {dimension_numbers = #tpu.dot_dimension_numbers<[1], [1], [0], [0], [0, 0, 1, 0], [], []>, transpose_lhs_hint = false} : vector<10000x128xf32>, vector<128x128xf32>, vector<10000x128xf32> -> vector<10000x128xf32>
    %swap3A = arith.constant 0 : index
    %swap3A_61 = arith.constant 0 : index
    %swap3A_62 = vector.load %arg8[%swap3A, %swap3A_61] : memref<10000x128xf32, #tpu.memory_space<vmem>>, vector<10000x128xf32>
    tpu.vector_store %arg8[%swap3A, %swap3A_61], %dot_general3A_60 {strides = array<i32>} : memref<10000x128xf32, #tpu.memory_space<vmem>>, vector<10000x128xf32>,
    %get3A_63 = arith.constant 0 : index
    %get3A_64 = arith.constant 0 : index
    %get3A_65 = vector.load %arg6[%get3A_63, %get3A_64] : memref<128x128xf32, #tpu.memory_space<vmem>>, vector<128x128xf32>
    %dot_general3A_66 = arith.constant dense<0.000000e+00> : vector<10000x128xf32>
    %dot_general3A_67 = tpu.matmul %max3A_56, %get3A_65, %dot_general3A_66 {dimension_numbers = #tpu.dot_dimension_numbers<[1], [1], [0], [0], [0, 0, 1, 0], [], []>, transpose_lhs_hint = false} : vector<10000x128xf32>, vector<128x128xf32>, vector<10000x128xf32> -> vector<10000x128xf32>
    %get3A_68 = arith.constant 0 : index
    %get3A_69 = arith.constant 0 : index
    %get3A_70 = vector.load %arg7[%get3A_68, %get3A_69] : memref<1x128xf32, #tpu.memory_space<vmem>>, vector<1x128xf32>
    %add3A_71 = vector.broadcast %get3A_70 : vector<1x128xf32> to vector<10000x128xf32>
    %add3A_72 = arith.addf %dot_general3A_67, %add3A_71 : vector<10000x128xf32>
    %swap3A_73 = arith.constant 0 : index
    %swap3A_74 = arith.constant 0 : index
    %swap3A_75 = vector.load %arg9[%swap3A_73, %swap3A_74] : memref<10000x128xf32, #tpu.memory_space<vmem>>, vector<10000x128xf32>
    tpu.vector_store %arg9[%swap3A_73, %swap3A_74], %add3A_72 {strides = array<i32>} : memref<10000x128xf32, #tpu.memory_space<vmem>>, vector<10000x128xf32>,
    return
  }
}

module attributes {stable_mosaic.version = 14 : i64} {
  func.func @_tc_post_body(%arg0: memref<2x10240x128xf32, #tpu.memory_space<vmem>>, %arg1: memref<2x10240x1xf32, #tpu.memory_space<vmem>>, %arg2: memref<10000x128xf32, #tpu.memory_space<vmem>>, %arg3: memref<1x128xf32, #tpu.memory_space<vmem>>, %arg4: memref<1x128xf32, #tpu.memory_space<vmem>>, %arg5: memref<1x10000xi32, #tpu.memory_space<vmem>>, %arg6: memref<128x128xf32, #tpu.memory_space<vmem>>) attributes {dimension_semantics = [], scalar_prefetch = 0 : i64, scratch_operands = 0 : i64, tpu.core_type = #tpu.core_type<tc>} {
    %get3A = arith.constant 0 : index
    %get3A_0 = arith.constant 0 : index
    %get3A_1 = arith.constant 0 : index
    %get3A_2 = vector.load %arg0[%get3A, %get3A_0, %get3A_1] : memref<2x10240x128xf32, #tpu.memory_space<vmem>>, vector<1x10000x128xf32>
    %get3A_3 = vector.shape_cast %get3A_2 : vector<1x10000x128xf32> to vector<10000x128xf32>
    %get3A_4 = arith.constant 1 : index
    %get3A_5 = arith.constant 0 : index
    %get3A_6 = arith.constant 0 : index
    %get3A_7 = vector.load %arg0[%get3A_4, %get3A_5, %get3A_6] : memref<2x10240x128xf32, #tpu.memory_space<vmem>>, vector<1x10000x128xf32>
    %get3A_8 = vector.shape_cast %get3A_7 : vector<1x10000x128xf32> to vector<10000x128xf32>
    %add3A = arith.addf %get3A_3, %get3A_8 : vector<10000x128xf32>
    %get3A_9 = arith.constant 0 : index
    %get3A_10 = arith.constant 0 : index
    %get3A_11 = arith.constant 0 : index
    %get3A_12 = vector.load %arg1[%get3A_9, %get3A_10, %get3A_11] : memref<2x10240x1xf32, #tpu.memory_space<vmem>>, vector<1x10000x1xf32>
    %get3A_13 = vector.shape_cast %get3A_12 : vector<1x10000x1xf32> to vector<10000x1xf32>
    %get3A_14 = arith.constant 1 : index
    %get3A_15 = arith.constant 0 : index
    %get3A_16 = arith.constant 0 : index
    %get3A_17 = vector.load %arg1[%get3A_14, %get3A_15, %get3A_16] : memref<2x10240x1xf32, #tpu.memory_space<vmem>>, vector<1x10000x1xf32>
    %get3A_18 = vector.shape_cast %get3A_17 : vector<1x10000x1xf32> to vector<10000x1xf32>
    %add3A_19 = arith.addf %get3A_13, %get3A_18 : vector<10000x1xf32>
    %max3A = arith.constant 1.000000e+00 : f32
    %max3A_20 = vector.broadcast %max3A : f32 to vector<10000x1xf32>
    %max3A_21 = arith.maximumf %add3A_19, %max3A_20 : vector<10000x1xf32>
    %div3A = vector.broadcast %max3A_21 : vector<10000x1xf32> to vector<10000x128xf32>
    %div3A_22 = arith.divf %add3A, %div3A : vector<10000x128xf32>
    %get3A_23 = arith.constant 0 : index
    %get3A_24 = arith.constant 0 : index
    %get3A_25 = vector.load %arg2[%get3A_23, %get3A_24] : memref<10000x128xf32, #tpu.memory_space<vmem>>, vector<10000x128xf32>
    %add3A_26 = arith.addf %div3A_22, %get3A_25 : vector<10000x128xf32>
    %get3A_27 = arith.constant 0 : index
    %get3A_28 = arith.constant 0 : index
    %get3A_29 = vector.load %arg3[%get3A_27, %get3A_28] : memref<1x128xf32, #tpu.memory_space<vmem>>, vector<1x128xf32>
    %get3A_30 = arith.constant 0 : index
    %get3A_31 = arith.constant 0 : index
    %get3A_32 = vector.load %arg4[%get3A_30, %get3A_31] : memref<1x128xf32, #tpu.memory_space<vmem>>, vector<1x128xf32>
    %reduce_sum3A = arith.constant dense<0.000000e+00> : vector<128xf32>
    %reduce_sum3A_33 = vector.multi_reduction <add>, %add3A_26, %reduce_sum3A [0] : vector<10000x128xf32> to vector<128xf32>
    %broadcast_in_dim3A = vector.shape_cast %reduce_sum3A_33 : vector<128xf32> to vector<1x128xf32>
    %div3A_34 = arith.constant 1.000000e+04 : f32
    %div3A_35 = vector.broadcast %div3A_34 : f32 to vector<1x128xf32>
    %div3A_36 = arith.divf %broadcast_in_dim3A, %div3A_35 : vector<1x128xf32>
    %sub3A = vector.broadcast %div3A_36 : vector<1x128xf32> to vector<10000x128xf32>
    %sub3A_37 = arith.subf %add3A_26, %sub3A : vector<10000x128xf32>
    %integer_pow3A = arith.mulf %sub3A_37, %sub3A_37 : vector<10000x128xf32>
    %reduce_sum3A_38 = arith.constant dense<0.000000e+00> : vector<128xf32>
    %reduce_sum3A_39 = vector.multi_reduction <add>, %integer_pow3A, %reduce_sum3A_38 [0] : vector<10000x128xf32> to vector<128xf32>
    %broadcast_in_dim3A_40 = vector.shape_cast %reduce_sum3A_39 : vector<128xf32> to vector<1x128xf32>
    %div3A_41 = arith.constant 1.000000e+04 : f32
    %div3A_42 = vector.broadcast %div3A_41 : f32 to vector<1x128xf32>
    %div3A_43 = arith.divf %broadcast_in_dim3A_40, %div3A_42 : vector<1x128xf32>
    %sub3A_44 = vector.broadcast %div3A_36 : vector<1x128xf32> to vector<10000x128xf32>
    %sub3A_45 = arith.subf %add3A_26, %sub3A_44 : vector<10000x128xf32>
    %mul3A = vector.broadcast %get3A_29 : vector<1x128xf32> to vector<10000x128xf32>
    %mul3A_46 = arith.mulf %mul3A, %sub3A_45 : vector<10000x128xf32>
    %add3A_47 = arith.constant 9.99999974E-6 : f32
    %add3A_48 = vector.broadcast %add3A_47 : f32 to vector<1x128xf32>
    %add3A_49 = arith.addf %div3A_43, %add3A_48 : vector<1x128xf32>
    %rsqrt3A = math.rsqrt %add3A_49 : vector<1x128xf32>
    %mul3A_50 = vector.broadcast %rsqrt3A : vector<1x128xf32> to vector<10000x128xf32>
    %mul3A_51 = arith.mulf %mul3A_46, %mul3A_50 : vector<10000x128xf32>
    %add3A_52 = vector.broadcast %get3A_32 : vector<1x128xf32> to vector<10000x128xf32>
    %add3A_53 = arith.addf %mul3A_51, %add3A_52 : vector<10000x128xf32>
    %max3A_54 = arith.constant 0.000000e+00 : f32
    %max3A_55 = vector.broadcast %max3A_54 : f32 to vector<10000x128xf32>
    %max3A_56 = arith.maximumf %add3A_53, %max3A_55 : vector<10000x128xf32>
    %iota3A = tpu.iota {dimensions = array<i32: 0>} : vector<128x10000xi32>
    %get3A_57 = arith.constant 0 : index
    %get3A_58 = arith.constant 0 : index
    %get3A_59 = vector.load %arg5[%get3A_57, %get3A_58] : memref<1x10000xi32, #tpu.memory_space<vmem>>, vector<1x10000xi32>
    %eq3A = vector.broadcast %get3A_59 : vector<1x10000xi32> to vector<128x10000xi32>
    %eq3A_60 = arith.cmpi eq, %eq3A, %iota3A : vector<128x10000xi32>
    %convert_element_type3A = arith.extui %eq3A_60 : vector<128x10000xi1> to vector<128x10000xi32>
    %convert_element_type3A_61 = arith.sitofp %convert_element_type3A : vector<128x10000xi32> to vector<128x10000xf32>
    %dot_general3A = arith.constant dense<0.000000e+00> : vector<128x128xf32>
    %dot_general3A_62 = tpu.matmul %convert_element_type3A_61, %max3A_56, %dot_general3A {dimension_numbers = #tpu.dot_dimension_numbers<[1], [0], [0], [1], [0, 0, 1, 1], [], []>, transpose_lhs_hint = false} : vector<128x10000xf32>, vector<10000x128xf32>, vector<128x128xf32> -> vector<128x128xf32>
    %reduce_sum3A_63 = arith.constant dense<0.000000e+00> : vector<128xf32>
    %reduce_sum3A_64 = vector.multi_reduction <add>, %convert_element_type3A_61, %reduce_sum3A_63 [1] : vector<128x10000xf32> to vector<128xf32>
    %broadcast_in_dim3A_65 = vector.shape_cast %reduce_sum3A_64 : vector<128xf32> to vector<128x1xf32>
    %max3A_66 = arith.constant 1.000000e+00 : f32
    %max3A_67 = vector.broadcast %max3A_66 : f32 to vector<128x1xf32>
    %max3A_68 = arith.maximumf %broadcast_in_dim3A_65, %max3A_67 : vector<128x1xf32>
    %div3A_69 = vector.broadcast %max3A_68 : vector<128x1xf32> to vector<128x128xf32>
    %div3A_70 = arith.divf %dot_general3A_62, %div3A_69 : vector<128x128xf32>
    %swap3A = arith.constant 0 : index
    %swap3A_71 = arith.constant 0 : index
    %swap3A_72 = vector.load %arg6[%swap3A, %swap3A_71] : memref<128x128xf32, #tpu.memory_space<vmem>>, vector<128x128xf32>
    tpu.vector_store %arg6[%swap3A, %swap3A_71], %div3A_70 {strides = array<i32>} : memref<128x128xf32, #tpu.memory_space<vmem>>, vector<128x128xf32>,
    return
  }
}

</mosaic_0001>

<sc_bundles>
// kernel: kernel.10.cloned.1.call-start
scs
__scs_entry_jumppad:
0x0: {  	(pc) =	sbr.rel $0x88, $3  }
0x1: {  	(tag) =	ssettag $0x0;
	lr =	simm.s32 $0x1  }
0x2: {  	[smem:$0x3F94] =	sst lr;
	_ =	strace $0xD0000000  }
0x3: {  	_ = 	snop  }
0x4: {  	_ = 	snop  }
0x5: {  	_ = 	snop  }
0x6: {  	_ = 	snop  }
0x7: {  	_ = 	snop  }
__scs_overlays_trampoline_lowered:
0x8: {  	[smem:$0x3FA3] =	sst s0  }
0x9: {  	[smem:$0x3FA4] =	sst s1  }
0xa: {  	[smem:$0x3FA5] =	sst s2  }
0xb: {  	[smem:$0x3FA6] =	sst s3  }
0xc: {  	[smem:$0x3FA7] =	sst s4  }
0xd: {  	[smem:$0x3FA8] =	sst s5  }
0xe: {  	[smem:$0x3FA9] =	sst s6  }
0xf: {  	[smem:$0x3FAA] =	sst s7  }
0x10: {  	[smem:$0x3FAB] =	sst s8  }
0x11: {  	[smem:$0x3FAC] =	sst s9;
	s0 =	simm.s32 @!p0 $0x0  }
0x12: {  	s1 =	sld [smem:$0x3F92];
	s0 =	simm.s32 @p0 $0x1  }
0x13: {  	[smem:$0x3FAD] =	sst s0;
	s0 =	simm.s32 @!p1 $0x0  }
0x14: {  	s2 =	sld [smem:$0x3F91];
	s0 =	simm.s32 @p1 $0x1  }
0x15: {  	[smem:$0x3FAE] =	sst s0;
	s0 =	simm.s32 @!p2 $0x0  }
0x16: {  	s3 =	sld [smem:$0x3FDB];
	s0 =	simm.s32 @p2 $0x1  }
0x17: {  	s4 =	simm.s32 $0x1BF5;
	[smem:$0x3FB0] =	sst s0  }
0x18: {  	s0 =	sld [smem:$0x3F93];
	_ =	swait.ge [sflag:s4], $0x0  }
0x19: {  	s7 =	sld [smem:$0x3F94]  }
0x1a: {  	s8 =	sadd.s32 $0xFFFFE003, lr  }
0x1b: {  	s9 =	sadd.s32 $0xFFFFFEF7, lr;
	s5 =	simm.s32 $0xFFFFFFFF;
	p2 =	slt.u32 s8, $0xFFFFF086  }
0x1c: {  	p1 =	slt.u32 s9, $0xF7A;
	s5 =	simm.s32 @!p2 $0x0  }
0x1d: {  	s5 =	simm.s32 @p1 $0x1;
	p0 =	seq.s32 s7, s2  }
0x1e: {  	s7 =	smul.u32 @!p0 $0xF7A, s2;
	p2 =	seq.s32 @!p0 s5, $0x0  }
0x1f: {  	s9 =	smul.u32 $0xF7A, s1;
	s8 =	simm.s32 @!p0 $0x1BF5;
	p2 =	por !p2, p0  }
0x20: {  	[sflag:s8] =	ssyncset.s32 @!p0 $0xFFFFF086;
	s6 =	sadd.s32 @!p0 s3, s7;
	s7 =	simm.s32 @!p0 $0x108  }
0x21: {  	s3 =	sadd.s32 s3, s9;
	s6 =	sadd.s32 @!p0 $0x88, s6;
	s7 =	simm.s32 @p2 $0x1082  }
0x22: {  	[simem:s7], [sflag:s8] =	dma.local @!p0 [hbm:s6], $0xF7A  }
0x23: {  	s9 =	sor.u32 $0xD0000000, s2;
	s6 =	simm.s32 $0x108;
	_ =	swait.ge @!p0 [sflag:s8], $0x0  }
0x24: {  	s3 =	sadd.s32 $0x88, s3;
	s6 =	simm.s32 @!p1 $0x1082;
	[sflag:s4] =	ssyncset.s32 $0xFFFFF086  }
0x25: {  	[simem:s6], [sflag:s4] =	dma.local [hbm:s3], $0xF7A  }
0x26: {  	[smem:$0x3F94] =	sst s1;
	(tag) =	ssettag s2;
	_ =	strace s9  }
0x27: {  	s1 =	sld [smem:$0x3FA4]  }
0x28: {  	s2 =	sld [smem:$0x3FA5]  }
0x29: {  	s4 =	sld [smem:$0x3FA7]  }
0x2a: {  	p0 =	seq.s32 s5, $0x0;
	s5 =	sld [smem:$0x3FA8]  }
0x2b: {  	s6 =	sld [smem:$0x3FA9]  }
0x2c: {  	s7 =	sld [smem:$0x3FAA]  }
0x2d: {  	s3 =	simm.s32 $0x108;
	s8 =	sld [smem:$0x3FAB]  }
0x2e: {  	s3 =	simm.s32 @!p0 $0x1082;
	s9 =	sld [smem:$0x3FAC]  }
0x2f: {  	lr =	sadd.s32 s0, s3;
	s0 =	sld [smem:$0x3FA3]  }
0x30: {  	s3 =	sld [smem:$0x3FA6]  }
0x31: {  	[smem:$0x3FAF] =	sst s10  }
0x32: {  	s10 =	sld [smem:$0x3FAD];
	_ =	sdelay $0x3  }
0x33: {  	p0 =	seq.s32 s10, $0x1;
	s10 =	sld [smem:$0x3FAF];
	_ =	sdelay $0x3  }
0x34: {  	[smem:$0x3FAF] =	sst s10  }
0x35: {  	s10 =	sld [smem:$0x3FAE];
	_ =	sdelay $0x3  }
0x36: {  	p1 =	seq.s32 s10, $0x1;
	s10 =	sld [smem:$0x3FAF];
	_ =	sdelay $0x3  }
0x37: {  	[smem:$0x3FAF] =	sst s10  }
0x38: {  	s10 =	sld [smem:$0x3FB0]  }
0x39: {  	_ = 	snop;
	(pc) =	sbr.ind lr, $3  }
0x3a: {  	_ = 	snop  }
0x3b: {  	_ = 	snop  }
0x3c: {  	p2 =	seq.s32 s10, $0x1;
	s10 =	sld [smem:$0x3FAF]  }
0x3d: {  	_ =	shalt  }
0x3e: {  	_ =	shalt  }
0x3f: {  	_ =	shalt  }
0x40: {  	_ =	shalt  }
0x41: {  	_ =	shalt  }
0x42: {  	_ =	shalt  }
0x43: {  	_ =	shalt  }
0x44: {  	_ =	shalt  }
0x45: {  	_ =	shalt  }
0x46: {  	_ =	shalt  }
0x47: {  	_ =	shalt  }
0x48: {  	_ =	shalt  }
0x49: {  	_ =	shalt  }
0x4a: {  	_ =	shalt  }
0x4b: {  	_ =	shalt  }
0x4c: {  	_ =	shalt  }
0x4d: {  	_ =	shalt  }
0x4e: {  	_ =	shalt  }
0x4f: {  	_ =	shalt  }
0x50: {  	_ =	shalt  }
0x51: {  	_ =	shalt  }
0x52: {  	_ =	shalt  }
0x53: {  	_ =	shalt  }
0x54: {  	_ =	shalt  }
0x55: {  	_ =	shalt  }
0x56: {  	_ =	shalt  }
0x57: {  	_ =	shalt  }
0x58: {  	_ =	shalt  }
0x59: {  	_ =	shalt  }
0x5a: {  	_ =	shalt  }
0x5b: {  	_ =	shalt  }
0x5c: {  	_ =	shalt  }
0x5d: {  	_ =	shalt  }
0x5e: {  	_ =	shalt  }
0x5f: {  	_ =	shalt  }
0x60: {  	_ =	shalt  }
0x61: {  	_ =	shalt  }
0x62: {  	_ =	shalt  }
0x63: {  	_ =	shalt  }
0x64: {  	_ =	shalt  }
0x65: {  	_ =	shalt  }
0x66: {  	_ =	shalt  }
0x67: {  	_ =	shalt  }
0x68: {  	_ =	shalt  }
0x69: {  	_ =	shalt  }
0x6a: {  	_ =	shalt  }
0x6b: {  	_ =	shalt  }
0x6c: {  	_ =	shalt  }
0x6d: {  	_ =	shalt  }
0x6e: {  	_ =	shalt  }
0x6f: {  	_ =	shalt  }
0x70: {  	_ =	shalt  }
0x71: {  	_ =	shalt  }
0x72: {  	_ =	shalt  }
0x73: {  	_ =	shalt  }
0x74: {  	_ =	shalt  }
0x75: {  	_ =	shalt  }
0x76: {  	_ =	shalt  }
0x77: {  	_ =	shalt  }
0x78: {  	_ =	shalt  }
0x79: {  	_ =	shalt  }
0x7a: {  	_ =	shalt  }
0x7b: {  	_ =	shalt  }
0x7c: {  	_ =	shalt  }
0x7d: {  	_ =	shalt  }
0x7e: {  	_ =	shalt  }
0x7f: {  	_ =	shalt  }
0x80: {  	_ =	shalt  }
0x81: {  	_ =	shalt  }
0x82: {  	_ =	shalt  }
0x83: {  	_ =	shalt  }
0x84: {  	_ =	shalt  }
0x85: {  	_ =	shalt  }
0x86: {  	_ =	shalt  }
0x87: {  	_ =	shalt  }
.Lfunc_end0:
.L_simem_size_0:
called_computation.1_lowered:
.L_overlay_start_0:
0x88: {  	s2 =	sld [smem:$0x3FD9]  }
0x89: {  	s3 =	sld [smem:$0x3FFE];
	_ =	sdelay $0x1  }
0x8a: {  	s1 =	srdreg.scid  }
0x8b: {  	s0 =	sand.u32 $0x1, s1  }
0x8c: {  	s16 =	sshll.u32 s0, $0xA;
	s2 =	sadd.s32 s3, s2  }
0x8d: {  	s2 =	sadd.s32 s2, s16  }
0x8e: {  	[smem:$0x3FBB] =	sst s2  }
0x8f: {  	_ = 	snop  }
0x90: {  	(tm) =	ssettm $0x1  }
0x91: {  	s17 =	sld [smem:$0x3FFB];
	_ =	sdelay $0x3  }
0x92: {  	_ =	strace s17  }
0x93: {  	s2 =	sld [smem:$0x3FFC];
	_ =	sdelay $0x3  }
0x94: {  	_ =	strace s2  }
0x95: {  	s2 =	sld [smem:$0x3FFD];
	_ =	sdelay $0x3  }
0x96: {  	_ =	strace s2  }
0x97: {  	_ =	strace $0x8FFFFFFF  }
0x98: {  	s18 =	sld [smem:$0x3FDB];
	_ =	sdelay $0x1  }
0x99: {  	s19 =	simm.s32 $_scs_section_size  }
0x9a: {  	s4 =	simm.s32 $_size__tile_overlayer_lowered;
	s5 =	simm.s32 $_tile_overlayer_lowered  }
0x9b: {  	s22 =	simm.s32 $0x1BFF;
	s21 =	sshll.u32 s5, $0x1;
	s2 =	sadd.s32 s19, s18  }
0x9c: {  	s6 =	simm.s32 $0x0;
	s20 =	sshll.u32 s4, $0x1;
	s4 =	sadd.s32 s21, s2  }
0x9d: {  	[timem:s6], [sflag:s22] =	dma.local [hbm:s4], s20  }
0x9e: {  	_ =	swait.ge [sflag:s22], s20  }
0x9f: {  	s3 =	ssub.s32 $0x0, s20;
	[sflag:s22] =	ssyncset.done $0x0  }
0xa0: {  	[sflag:s22] =	ssyncadd.s32 s3;
	_ =	sdelay $0x1  }
0xa1: {  	s23 =	simm.s32 $0x1B8B  }
0xa2: {  	_ =	swait.ge [sflag:s23], $0x1  }
0xa3: {  	[sflag:s23] =	ssyncset.done $0x0  }
0xa4: {  	s25 =	simm.s32 $0x1B8E;
	s24 =	sld [smem:$0x3FFE];
	[sflag:s23] =	ssyncadd.s32 $0xFFFFFFFF  }
0xa5: {  	s26 =	simm.s32 $execute0_lowered;
	[smem:$0x3FD2] =	sst s25  }
0xa6: {  	s4 =	sshll.u32 s26, $0x1;
	_ =	strace $0x80000049;
	[dreg:$0x1] =	wrdreg $0xFFFFFFFF  }
0xa7: {  	s28 =	simm.s32 $_size_execute0_lowered;
	s2 =	sadd.s32 s2, s4;
	[dreg:$0x0] =	wrdreg $0x0  }
0xa8: {  	s4 =	sshll.u32 s28, $0x1;
	[dreg:$0x2] =	wrdreg s2  }
0xa9: {  	[dreg:$0x3] =	wrdreg s4  }
0xaa: {  	[dreg:$0x4] =	wrdreg $0xC0  }
0xab: {  	_ =	task [dreg:s6], $0x5FFFF  }
0xac: {  	[dreg:$0x1] =	wrdreg $0xFFFFFFFF  }
0xad: {  	[dreg:$0x0] =	wrdreg $0x60  }
0xae: {  	[dreg:$0x2] =	wrdreg s24  }
0xaf: {  	[dreg:$0x3] =	wrdreg $0x82000  }
0xb0: {  	[dreg:$0x4] =	wrdreg $0x9  }
0xb1: {  	_ =	task.clear_ibuf [dreg:s6], $0x5FFFF;
	_ =	strace $0x90000049  }
0xb2: {  	s29 =	simm.s32 $0x9;
	_ =	strace $0x8000004B  }
0xb3: {  	_ =	swait.ge [sflag:s29], $0x1  }
0xb4: {  	[sflag:s29] =	ssyncadd.s32 $0xFFFFFFFF  }
0xb5: {  	_ =	strace $0x9000004B  }
0xb6: {  	_ =	sfence  }
0xb7: {  	s30 =	sld [smem:$0x0];
	_ =	sdelay $0x2  }
0xb8: {  	s31 =	sshll.u32 s1, $0xD;
	s1 =	sshrl.u32 s1, $0x2  }
0xb9: {  	s3 =	sand.u32 $0x4000, s31;
	s1 =	sadd.s32 s1, s30  }
0xba: {  	s0 =	sor.u32 s3, s0;
	s1 =	sshll.u32 s1, $0x11  }
0xbb: {  	s0 =	sor.u32 s1, s0  }
0xbc: {  	s0 =	sadd.s32 $0x8F2B, s0  }
0xbd: {  	[sflag:s0] =	ssyncadd.remote.s32 $0x1  }
0xbe: {  	_ =	sfence.sel $0xFFFF  }
0xbf: {  	[dreg:$0x0] =	wrdreg $0xFFFFFFFF;
	(pc) =	sbr.abs _section_cstart, $3  }
0xc0: {  	[dreg:$0x1] =	wrdreg $0xFFFFFFFF  }
0xc1: {  	_ =	task.clear_ibuf [dreg:s6], $0x2FFFF;
	_ =	strace $0x9FFFFFFF  }
0xc2: {  	(tm) =	ssettm $0x7FFFFFFF  }
0xc3: {  	_ =	shalt  }
tec
execute0_lowered:
.L_overlay_start_1:
0x0: {  	(tag) =	ssettag $0x1  }
0x1: {  	s0 =	rddreg [dreg:$0x0]  }
0x2: {  	s1 =	rddreg [dreg:$0x1];
	s2 =	simm.s32 $0x0;
	s5 =	srdreg.scid  }
0x3: {  	s3 =	stileid.u32;
	s21 =	simm.s32 $0x100;
	s22 =	simm.s32 $0x80  }
0x4: {  	s23 =	simm.s32 $0x4200;
	s24 =	simm.s32 $0x1;
	s25 =	simm.s32 $0x2  }
0x5: {  	s26 =	simm.s32 $0x180;
	s28 =	simm.s32 $0x3;
	s29 =	simm.s32 $0x0  }
0x6: {  	[smem:$0x7FF] =	sst s2;
	s4 =	sadd.s32 $0x16600, s0;
	s8 =	sand.u32 $0x1, s5  }
0x7: {  	s5 =	sadd.s32 $0x2600, s0;
	s9 =	smul.u32 $0x50000, s3;
	s6 =	sadd.s32 $0xC600, s0  }
0x8: {  	s0 =	sadd.s32 $0x3D800, s0;
	s11 =	sshll.u32 s3, $0x1;
	s12 =	smul.u32 $0x14000, s3  }
0x9: {  	_ =	strace $0x8000004A;
	s7 =	ssub.s32 $0x2, s8;
	s13 =	sor.u32 s8, s11  }
0xa: {  	s16 =	smul.u32 $0x140000, s8;
	s10 =	sshrl.u32 s7, $0x1;
	s9 =	sshrl.u32 s9, $0x2  }
0xb: {  	s14 =	sadd.s32 $0x4000, s12;
	s15 =	sadd.s32 $0x8000, s12;
	s17 =	sadd.s32 $0xC000, s12  }
0xc: {  	s19 =	sadd.s32 $0x10000, s12;
	s18 =	ssub.s32 s7, s10;
	s7 =	sadd.s32 s9, s1  }
0xd: {  	s8 =	sadd.s32 s14, s1;
	s9 =	sadd.s32 s15, s1;
	s10 =	sadd.s32 s17, s1  }
0xe: {  	s12 =	sadd.s32 s12, s16;
	s11 =	sadd.s32 s19, s1;
	s14 =	sadd.s32 s16, s14  }
0xf: {  	s15 =	sadd.s32 s16, s15;
	s17 =	sadd.s32 s16, s17;
	s19 =	sadd.s32 s16, s19  }
0x10: {  	s20 =	sshrl.u32 s12, $0x3;
	s12 =	smul.u32 $0x2800, s13;
	s14 =	sshrl.u32 s14, $0x3  }
0x11: {  	s15 =	sshrl.u32 s15, $0x3;
	s17 =	sshrl.u32 s17, $0x3;
	s31 =	sshrl.u32 s19, $0x3  }
0x12: {  	s18 =	smax.u32 s18, $0x1;
	s19 =	simm.s32 $0x200;
	s30 =	sadd.s32 s0, s20  }
0x13: {  	s14 =	sadd.s32 s0, s14;
	s15 =	sadd.s32 s0, s15;
	s16 =	sadd.s32 s0, s17  }
0x14: {  	v0 =	vimm.f32 $0.0e+00;
	s17 =	sadd.s32 s0, s31;
	s20 =	simm.s32 $0x4;
	[dreg:$0x3] =	wrdreg s30  }
.LBB2_1:
0x15: {  	s0 =	sand.u32 $0xFE00, s2  }
0x16: {  	s31 =	sand.u32 $0x70, s2;
	s0 =	sshrl.u32 s0, $0x2  }
0x17: {  	s30 =	simm.s32 $0x40;
	s0 =	sor.u32 s31, s0;
	s31 =	simm.s32 $0x0  }
.LBB2_2:
0x18: {  	p0 =	sne.s32 s30, $0xFFC0  }
0x19: {  	[tilespmem:s0+$0x200] =	vst v0;
	s31 =	sadd.s32 $0x10, s31;
	s0 =	smov.u32 s30;
	s30 =	sadd.s32 $0x40, s30  }
.Ltmp0:
0x1a: {  	(pc) =	sbr.rel @p0 .LBB2_2-.Ltmp0, $4  }
0x1b: {  	_ = 	snop  }
0x1c: {  	s0 =	sand.u32 $0xFE00, s0  }
0x1d: {  	s3 =	sand.u32 $0x70, s31;
	s0 =	sshrl.u32 s0, $0x2  }
0x1e: {  	s0 =	sor.u32 s3, s0  }
0x1f: {  	[tilespmem:s0+$0x200] =	vst v0  }
0x20: {  	[spmem:s7] =	stream.linear.scatter [tilespmem:s19], [sflag:$0x4], $0x4000, $0x38;
	[tilespmem:$0x1C200] =	vst v63  }
0x21: {  	_ =	swait.ge [sflag:s20], $0x4000  }
0x22: {  	[sflag:s20] =	ssyncset.done $0x0  }
0x23: {  	[sflag:s20] =	ssyncadd.s32 $0xFFFFC000  }
0x24: {  	[spmem:s8] =	stream.linear.scatter [tilespmem:s19], [sflag:$0x4], $0x4000, $0x38;
	[tilespmem:$0x1C200] =	vst v63  }
0x25: {  	_ =	swait.ge [sflag:s20], $0x4000  }
0x26: {  	[sflag:s20] =	ssyncset.done $0x0  }
0x27: {  	[sflag:s20] =	ssyncadd.s32 $0xFFFFC000  }
0x28: {  	[spmem:s9] =	stream.linear.scatter [tilespmem:s19], [sflag:$0x4], $0x4000, $0x38;
	[tilespmem:$0x1C200] =	vst v63  }
0x29: {  	_ =	swait.ge [sflag:s20], $0x4000  }
0x2a: {  	[sflag:s20] =	ssyncset.done $0x0  }
0x2b: {  	[sflag:s20] =	ssyncadd.s32 $0xFFFFC000  }
0x2c: {  	[spmem:s10] =	stream.linear.scatter [tilespmem:s19], [sflag:$0x4], $0x4000, $0x38;
	[tilespmem:$0x1C200] =	vst v63  }
0x2d: {  	_ =	swait.ge [sflag:s20], $0x4000  }
0x2e: {  	s13 =	simm.s32 $0x0;
	[sflag:s20] =	ssyncset.done $0x0  }
0x2f: {  	s3 =	sand.u32 $0x3C00, s13;
	[sflag:s20] =	ssyncadd.s32 $0xFFFFC000  }
0x30: {  	[spmem:s11] =	stream.linear.scatter [tilespmem:s19], [sflag:$0x4], $0x4000, $0x38;
	[tilespmem:$0x1C200] =	vst v63  }
0x31: {  	s0 =	sand.u32 $0x300, s13;
	s3 =	sadd.s32 s12, s3;
	_ =	swait.ge [sflag:s20], $0x4000  }
0x32: {  	s0 =	sor.u32 s0, s3;
	[sflag:s20] =	ssyncset.done $0x0  }
0x33: {  	s0 =	sshrl.u32 s0, $0x3;
	[sflag:s20] =	ssyncadd.s32 $0xFFFFC000  }
0x34: {  	s13 =	sadd.s32 s5, s0;
	[bflag:$0x0] =	sbarrier.arrive $0xFFFF  }
0x35: {  	[tilespmem:s2], [sflag:$0x4] =	stream.linear.gather [hbm4b:s13+s2], $0x100, $0x38;
	[tilespmem:$0x1C200] =	vst v63  }
0x36: {  	_ =	swait.ge [sflag:s20], $0x100  }
0x37: {  	[sflag:s20] =	ssyncset.done $0x0  }
0x38: {  	s0 =	sadd.s32 s6, s0;
	[sflag:s20] =	ssyncadd.s32 $0xFFFFFF00  }
0x39: {  	[tilespmem:s21], [sflag:$0x4] =	stream.linear.gather [hbm4b:s0+s2], $0x100, $0x38;
	[tilespmem:$0x1C200] =	vst v63  }
0x3a: {  	_ =	swait.ge [sflag:s20], $0x100  }
0x3b: {  	[sflag:s20] =	ssyncset.done $0x0  }
0x3c: {  	[sflag:s20] =	ssyncadd.s32 $0xFFFFFF00  }
0x3d: {  	[tilespmem:s19], [sflag:$0x1] =	stream.indirect.gather [hbm4b:s4+s22], $0x80, s2, s22, $0xb8;
	[tilespmem:$0x1C200] =	vst v63  }
0x3e: {  	_ = 	snop  }
0x3f: {  	[tilespmem:s23], [sflag:$0x2] =	stream.indirect.gather [hbm4b:s4+s22], $0x80, s22, s22, $0xb8;
	[tilespmem:$0x1C200] =	vst v63  }
0x40: {  	_ =	swait.ge [sflag:s24], $0x4000  }
0x41: {  	[sflag:s24] =	ssyncset.done $0x0  }
0x42: {  	[sflag:s24] =	ssyncadd.s32 $0xFFFFC000  }
0x43: {  	[spmem:s1] =	stream.indirect.scatter.add.f32 [tilespmem:s19], [sflag:$0x3], $0x80, s21, s22, $0xb8;
	[tilespmem:$0x1C200] =	vst v63  }
0x44: {  	_ =	swait.ge [sflag:s25], $0x4000  }
0x45: {  	[sflag:s25] =	ssyncset.done $0x0  }
0x46: {  	[sflag:s25] =	ssyncadd.s32 $0xFFFFC000  }
0x47: {  	[spmem:s1] =	stream.indirect.scatter.add.f32 [tilespmem:s23], [sflag:$0x4], $0x80, s26, s22, $0xb8;
	[tilespmem:$0x1C200] =	vst v63  }
0x48: {  	s0 =	simm.s32 $0x100;
	_ =	swait.ge [sflag:s20], $0x4000  }
0x49: {  	s13 =	sand.u32 $0x3C00, s0;
	[sflag:s20] =	ssyncset.done $0x0  }
0x4a: {  	s0 =	sand.u32 $0x300, s0;
	s3 =	sadd.s32 s12, s13;
	[sflag:s20] =	ssyncadd.s32 $0xFFFFC000  }
0x4b: {  	s0 =	sor.u32 s0, s3;
	_ =	swait.ge [sflag:s28], $0x4000  }
0x4c: {  	s31 =	simm.s32 $0x200;
	s30 =	sshrl.u32 s0, $0x3;
	[sflag:s28] =	ssyncset.done $0x0  }
.LBB2_4:
0x4d: {  	s0 =	sadd.s32 s5, s30  }
0x4e: {  	[sflag:s28] =	ssyncadd.s32 $0xFFFFC000;
	s3 =	smov.u32 s31;
	s13 =	sadd.s32 $0x100, s31  }
0x4f: {  	[tilespmem:s2], [sflag:$0x4] =	stream.linear.gather [hbm4b:s0+s2], $0x100, $0x38;
	[tilespmem:$0x1C200] =	vst v63  }
0x50: {  	p0 =	sne.s32 s31, $0x2700;
	_ =	swait.ge [sflag:s20], $0x100  }
0x51: {  	[sflag:s20] =	ssyncset.done $0x0  }
0x52: {  	s0 =	sadd.s32 s6, s30;
	[sflag:s20] =	ssyncadd.s32 $0xFFFFFF00  }
0x53: {  	[tilespmem:s21], [sflag:$0x4] =	stream.linear.gather [hbm4b:s0+s2], $0x100, $0x38;
	[tilespmem:$0x1C200] =	vst v63  }
0x54: {  	_ =	swait.ge [sflag:s20], $0x100  }
0x55: {  	[sflag:s20] =	ssyncset.done $0x0  }
0x56: {  	[sflag:s20] =	ssyncadd.s32 $0xFFFFFF00  }
0x57: {  	[tilespmem:s19], [sflag:$0x1] =	stream.indirect.gather [hbm4b:s4+s22], $0x80, s2, s22, $0xb8;
	[tilespmem:$0x1C200] =	vst v63  }
0x58: {  	_ = 	snop  }
0x59: {  	[tilespmem:s23], [sflag:$0x2] =	stream.indirect.gather [hbm4b:s4+s22], $0x80, s22, s22, $0xb8;
	[tilespmem:$0x1C200] =	vst v63  }
0x5a: {  	_ =	swait.ge [sflag:s24], $0x4000  }
0x5b: {  	[sflag:s24] =	ssyncset.done $0x0  }
0x5c: {  	[sflag:s24] =	ssyncadd.s32 $0xFFFFC000  }
0x5d: {  	[spmem:s1] =	stream.indirect.scatter.add.f32 [tilespmem:s19], [sflag:$0x3], $0x80, s21, s22, $0xb8;
	[tilespmem:$0x1C200] =	vst v63  }
0x5e: {  	_ =	swait.ge [sflag:s25], $0x4000  }
0x5f: {  	[sflag:s25] =	ssyncset.done $0x0  }
0x60: {  	[sflag:s25] =	ssyncadd.s32 $0xFFFFC000  }
0x61: {  	[spmem:s1] =	stream.indirect.scatter.add.f32 [tilespmem:s23], [sflag:$0x4], $0x80, s26, s22, $0xb8;
	[tilespmem:$0x1C200] =	vst v63  }
.Ltmp1:
0x62: {  	_ =	swait.ge [sflag:s20], $0x4000;
	(pc) =	sbr.rel @p0 .LBB2_4-.Ltmp1, $4  }
0x63: {  	s0 =	sand.u32 $0x3C00, s3;
	[sflag:s20] =	ssyncset.done $0x0  }
0x64: {  	s3 =	sand.u32 $0x300, s3;
	s0 =	sadd.s32 s12, s0;
	[sflag:s20] =	ssyncadd.s32 $0xFFFFC000  }
0x65: {  	s0 =	sor.u32 s3, s0;
	_ =	swait.ge [sflag:s28], $0x4000  }
0x66: {  	s31 =	smov.u32 s13;
	s30 =	sshrl.u32 s0, $0x3;
	[sflag:s28] =	ssyncset.done $0x0  }
0x67: {  	s0 =	sadd.s32 s5, s30;
	[sflag:s28] =	ssyncadd.s32 $0xFFFFC000  }
0x68: {  	[tilespmem:s2], [sflag:$0x4] =	stream.linear.gather [hbm4b:s0+s2], $0x100, $0x38;
	[tilespmem:$0x1C200] =	vst v63  }
0x69: {  	_ =	swait.ge [sflag:s20], $0x100  }
0x6a: {  	[sflag:s20] =	ssyncset.done $0x0  }
0x6b: {  	s13 =	sadd.s32 s6, s30;
	[sflag:s20] =	ssyncadd.s32 $0xFFFFFF00  }
0x6c: {  	[tilespmem:s21], [sflag:$0x4] =	stream.linear.gather [hbm4b:s13+s2], $0x100, $0x38;
	[tilespmem:$0x1C200] =	vst v63  }
0x6d: {  	_ =	swait.ge [sflag:s20], $0x100  }
0x6e: {  	[sflag:s20] =	ssyncset.done $0x0  }
0x6f: {  	[sflag:s20] =	ssyncadd.s32 $0xFFFFFF00  }
0x70: {  	[tilespmem:s19], [sflag:$0x1] =	stream.indirect.gather [hbm4b:s4+s22], $0x80, s2, s22, $0xb8;
	[tilespmem:$0x1C200] =	vst v63  }
0x71: {  	_ = 	snop  }
0x72: {  	[tilespmem:s23], [sflag:$0x2] =	stream.indirect.gather [hbm4b:s4+s22], $0x80, s22, s22, $0xb8;
	[tilespmem:$0x1C200] =	vst v63  }
0x73: {  	_ =	swait.ge [sflag:s24], $0x4000  }
0x74: {  	[sflag:s24] =	ssyncset.done $0x0  }
0x75: {  	[sflag:s24] =	ssyncadd.s32 $0xFFFFC000  }
0x76: {  	[spmem:s1] =	stream.indirect.scatter.add.f32 [tilespmem:s19], [sflag:$0x3], $0x80, s21, s22, $0xb8;
	[tilespmem:$0x1C200] =	vst v63  }
0x77: {  	_ =	swait.ge [sflag:s25], $0x4000  }
0x78: {  	[sflag:s25] =	ssyncset.done $0x0  }
0x79: {  	[sflag:s25] =	ssyncadd.s32 $0xFFFFC000  }
0x7a: {  	[spmem:s1] =	stream.indirect.scatter.add.f32 [tilespmem:s23], [sflag:$0x4], $0x80, s26, s22, $0xb8;
	[tilespmem:$0x1C200] =	vst v63  }
0x7b: {  	_ =	swait.ge [sflag:s20], $0x4000  }
0x7c: {  	[sflag:s20] =	ssyncset.done $0x0  }
0x7d: {  	[sflag:s20] =	ssyncadd.s32 $0xFFFFC000  }
0x7e: {  	_ =	swait.ge [sflag:s28], $0x4000  }
0x7f: {  	[sflag:s28] =	ssyncset.done $0x0  }
0x80: {  	s30 =	stileid.u32;
	[sflag:s28] =	ssyncadd.s32 $0xFFFFC000  }
0x81: {  	s0 =	sshll.u32 s30, $0x6;
	[bflag:$0x0] =	sbarrier.arrive $0xFFFF  }
0x82: {  	s3 =	sshrl.u32 s7, $0x3;
	s0 =	sor.u32 $0x1C04, s0;
	s13 =	rddreg [dreg:$0x3]  }
0x83: {  	[hbm:s13], [sflag:s0] =	dma.local [spmem:s3], $0x800  }
0x84: {  	_ =	swait.ge [sflag:s20], $0x800  }
0x85: {  	[sflag:s20] =	ssyncset.done $0x0  }
0x86: {  	s31 =	sshrl.u32 s8, $0x3;
	[sflag:s20] =	ssyncadd.s32 $0xFFFFF800  }
0x87: {  	[hbm:s14], [sflag:s0] =	dma.local [spmem:s31], $0x800  }
0x88: {  	_ =	swait.ge [sflag:s20], $0x800  }
0x89: {  	[sflag:s20] =	ssyncset.done $0x0  }
0x8a: {  	s13 =	sshrl.u32 s9, $0x3;
	[sflag:s20] =	ssyncadd.s32 $0xFFFFF800  }
0x8b: {  	[hbm:s15], [sflag:s0] =	dma.local [spmem:s13], $0x800  }
0x8c: {  	_ =	swait.ge [sflag:s20], $0x800  }
0x8d: {  	[sflag:s20] =	ssyncset.done $0x0  }
0x8e: {  	s30 =	sshrl.u32 s10, $0x3;
	[sflag:s20] =	ssyncadd.s32 $0xFFFFF800  }
0x8f: {  	[hbm:s16], [sflag:s0] =	dma.local [spmem:s30], $0x800  }
0x90: {  	s29 =	sadd.s32 $0x1, s29;
	_ =	swait.ge [sflag:s20], $0x800  }
0x91: {  	p0 =	sne.s32 s29, s18;
	[sflag:s20] =	ssyncset.done $0x0  }
.Ltmp2:
0x92: {  	s31 =	sshrl.u32 s11, $0x3;
	[sflag:s20] =	ssyncadd.s32 $0xFFFFF800;
	(pc) =	sbr.rel @p0 .LBB2_1-.Ltmp2, $4  }
0x93: {  	[hbm:s17], [sflag:s0] =	dma.local [spmem:s31], $0x800  }
0x94: {  	_ =	swait.ge [sflag:s20], $0x800  }
0x95: {  	[sflag:s20] =	ssyncset.done $0x0  }
0x96: {  	[sflag:s20] =	ssyncadd.s32 $0xFFFFF800  }
0x97: {  	_ =	sfence.sel $0x180000  }
0x98: {  	[bflag:$0x0] =	sbarrier.arrive $0xFFFF  }
0x99: {  	_ =	strace $0x9000004A  }
0x9a: {  	s0 =	stileid.u32;
	[bflag:$0x2] =	sbarrier.arrive $0xFFFF  }
0x9b: {  	p0 =	sne.s32 s0, $0x0;
	s0 =	rddreg [dreg:$0x2]  }
0x9c: {  	s0 =	sadd.s32 @!p0 $0x100000, s0  }
0x9d: {  	[sflag:s0] =	ssyncadd.tile.s32 @!p0 $0x1;
	_ =	shalt  }
.Lfunc_end2:
_tile_overlayer_lowered:
.L_overlay_start_2:
0x9e: {  	(tag) =	ssettag $0x2  }
0x9f: {  	s0 =	rddreg [dreg:$0x0];
	s2 =	stileid.u32  }
0xa0: {  	s1 =	rddreg [dreg:$0x1];
	p0 =	sne.s32 s2, $0x0  }
0xa1: {  	s3 =	rddreg [dreg:$0x2];
	[bflag:$0x3] =	sbarrier.arrive $0xFFFF;
	s2 =	simm.s32 @!p0 $0x1C04  }
0xa2: {  	[timem:s3], [sflag:s2] =	dma.local @!p0 [hbm:s0], s1  }
0xa3: {  	s0 =	simm.s32 @!p0 $0x4  }
0xa4: {  	_ =	swait.ge @!p0 [sflag:s0], s1  }
0xa5: {  	s1 =	ssub.s32 @!p0 $0x0, s1;
	[sflag:s0] =	ssyncset.done @!p0 $0x0  }
0xa6: {  	[sflag:s0] =	ssyncadd.s32 @!p0 s1  }
0xa7: {  	[bflag:$0x3] =	sbarrier.arrive $0xFFFF  }
0xa8: {  	_ =	shalt  }

// kernel: kernel.7.cloned.1.call-start
scs
__scs_entry_jumppad:
0x0: {  	(pc) =	sbr.rel $0x88, $3  }
0x1: {  	(tag) =	ssettag $0x0;
	lr =	simm.s32 $0x1  }
0x2: {  	[smem:$0x3F94] =	sst lr;
	_ =	strace $0xD0000000  }
0x3: {  	_ = 	snop  }
0x4: {  	_ = 	snop  }
0x5: {  	_ = 	snop  }
0x6: {  	_ = 	snop  }
0x7: {  	_ = 	snop  }
__scs_overlays_trampoline_lowered:
0x8: {  	[smem:$0x3FA3] =	sst s0  }
0x9: {  	[smem:$0x3FA4] =	sst s1  }
0xa: {  	[smem:$0x3FA5] =	sst s2  }
0xb: {  	[smem:$0x3FA6] =	sst s3  }
0xc: {  	[smem:$0x3FA7] =	sst s4  }
0xd: {  	[smem:$0x3FA8] =	sst s5  }
0xe: {  	[smem:$0x3FA9] =	sst s6  }
0xf: {  	[smem:$0x3FAA] =	sst s7  }
0x10: {  	[smem:$0x3FAB] =	sst s8  }
0x11: {  	[smem:$0x3FAC] =	sst s9;
	s0 =	simm.s32 @!p0 $0x0  }
0x12: {  	s1 =	sld [smem:$0x3F92];
	s0 =	simm.s32 @p0 $0x1  }
0x13: {  	[smem:$0x3FAD] =	sst s0;
	s0 =	simm.s32 @!p1 $0x0  }
0x14: {  	s2 =	sld [smem:$0x3F91];
	s0 =	simm.s32 @p1 $0x1  }
0x15: {  	[smem:$0x3FAE] =	sst s0;
	s0 =	simm.s32 @!p2 $0x0  }
0x16: {  	s3 =	sld [smem:$0x3FDB];
	s0 =	simm.s32 @p2 $0x1  }
0x17: {  	s4 =	simm.s32 $0x1BF5;
	[smem:$0x3FB0] =	sst s0  }
0x18: {  	s0 =	sld [smem:$0x3F93];
	_ =	swait.ge [sflag:s4], $0x0  }
0x19: {  	s7 =	sld [smem:$0x3F94]  }
0x1a: {  	s8 =	sadd.s32 $0xFFFFE003, lr  }
0x1b: {  	s9 =	sadd.s32 $0xFFFFFEF7, lr;
	s5 =	simm.s32 $0xFFFFFFFF;
	p2 =	slt.u32 s8, $0xFFFFF086  }
0x1c: {  	p1 =	slt.u32 s9, $0xF7A;
	s5 =	simm.s32 @!p2 $0x0  }
0x1d: {  	s5 =	simm.s32 @p1 $0x1;
	p0 =	seq.s32 s7, s2  }
0x1e: {  	s7 =	smul.u32 @!p0 $0xF7A, s2;
	p2 =	seq.s32 @!p0 s5, $0x0  }
0x1f: {  	s9 =	smul.u32 $0xF7A, s1;
	s8 =	simm.s32 @!p0 $0x1BF5;
	p2 =	por !p2, p0  }
0x20: {  	[sflag:s8] =	ssyncset.s32 @!p0 $0xFFFFF086;
	s6 =	sadd.s32 @!p0 s3, s7;
	s7 =	simm.s32 @!p0 $0x108  }
0x21: {  	s3 =	sadd.s32 s3, s9;
	s6 =	sadd.s32 @!p0 $0x88, s6;
	s7 =	simm.s32 @p2 $0x1082  }
0x22: {  	[simem:s7], [sflag:s8] =	dma.local @!p0 [hbm:s6], $0xF7A  }
0x23: {  	s9 =	sor.u32 $0xD0000000, s2;
	s6 =	simm.s32 $0x108;
	_ =	swait.ge @!p0 [sflag:s8], $0x0  }
0x24: {  	s3 =	sadd.s32 $0x88, s3;
	s6 =	simm.s32 @!p1 $0x1082;
	[sflag:s4] =	ssyncset.s32 $0xFFFFF086  }
0x25: {  	[simem:s6], [sflag:s4] =	dma.local [hbm:s3], $0xF7A  }
0x26: {  	[smem:$0x3F94] =	sst s1;
	(tag) =	ssettag s2;
	_ =	strace s9  }
0x27: {  	s1 =	sld [smem:$0x3FA4]  }
0x28: {  	s2 =	sld [smem:$0x3FA5]  }
0x29: {  	s4 =	sld [smem:$0x3FA7]  }
0x2a: {  	p0 =	seq.s32 s5, $0x0;
	s5 =	sld [smem:$0x3FA8]  }
0x2b: {  	s6 =	sld [smem:$0x3FA9]  }
0x2c: {  	s7 =	sld [smem:$0x3FAA]  }
0x2d: {  	s3 =	simm.s32 $0x108;
	s8 =	sld [smem:$0x3FAB]  }
0x2e: {  	s3 =	simm.s32 @!p0 $0x1082;
	s9 =	sld [smem:$0x3FAC]  }
0x2f: {  	lr =	sadd.s32 s0, s3;
	s0 =	sld [smem:$0x3FA3]  }
0x30: {  	s3 =	sld [smem:$0x3FA6]  }
0x31: {  	[smem:$0x3FAF] =	sst s10  }
0x32: {  	s10 =	sld [smem:$0x3FAD];
	_ =	sdelay $0x3  }
0x33: {  	p0 =	seq.s32 s10, $0x1;
	s10 =	sld [smem:$0x3FAF];
	_ =	sdelay $0x3  }
0x34: {  	[smem:$0x3FAF] =	sst s10  }
0x35: {  	s10 =	sld [smem:$0x3FAE];
	_ =	sdelay $0x3  }
0x36: {  	p1 =	seq.s32 s10, $0x1;
	s10 =	sld [smem:$0x3FAF];
	_ =	sdelay $0x3  }
0x37: {  	[smem:$0x3FAF] =	sst s10  }
0x38: {  	s10 =	sld [smem:$0x3FB0]  }
0x39: {  	_ = 	snop;
	(pc) =	sbr.ind lr, $3  }
0x3a: {  	_ = 	snop  }
0x3b: {  	_ = 	snop  }
0x3c: {  	p2 =	seq.s32 s10, $0x1;
	s10 =	sld [smem:$0x3FAF]  }
0x3d: {  	_ =	shalt  }
0x3e: {  	_ =	shalt  }
0x3f: {  	_ =	shalt  }
0x40: {  	_ =	shalt  }
0x41: {  	_ =	shalt  }
0x42: {  	_ =	shalt  }
0x43: {  	_ =	shalt  }
0x44: {  	_ =	shalt  }
0x45: {  	_ =	shalt  }
0x46: {  	_ =	shalt  }
0x47: {  	_ =	shalt  }
0x48: {  	_ =	shalt  }
0x49: {  	_ =	shalt  }
0x4a: {  	_ =	shalt  }
0x4b: {  	_ =	shalt  }
0x4c: {  	_ =	shalt  }
0x4d: {  	_ =	shalt  }
0x4e: {  	_ =	shalt  }
0x4f: {  	_ =	shalt  }
0x50: {  	_ =	shalt  }
0x51: {  	_ =	shalt  }
0x52: {  	_ =	shalt  }
0x53: {  	_ =	shalt  }
0x54: {  	_ =	shalt  }
0x55: {  	_ =	shalt  }
0x56: {  	_ =	shalt  }
0x57: {  	_ =	shalt  }
0x58: {  	_ =	shalt  }
0x59: {  	_ =	shalt  }
0x5a: {  	_ =	shalt  }
0x5b: {  	_ =	shalt  }
0x5c: {  	_ =	shalt  }
0x5d: {  	_ =	shalt  }
0x5e: {  	_ =	shalt  }
0x5f: {  	_ =	shalt  }
0x60: {  	_ =	shalt  }
0x61: {  	_ =	shalt  }
0x62: {  	_ =	shalt  }
0x63: {  	_ =	shalt  }
0x64: {  	_ =	shalt  }
0x65: {  	_ =	shalt  }
0x66: {  	_ =	shalt  }
0x67: {  	_ =	shalt  }
0x68: {  	_ =	shalt  }
0x69: {  	_ =	shalt  }
0x6a: {  	_ =	shalt  }
0x6b: {  	_ =	shalt  }
0x6c: {  	_ =	shalt  }
0x6d: {  	_ =	shalt  }
0x6e: {  	_ =	shalt  }
0x6f: {  	_ =	shalt  }
0x70: {  	_ =	shalt  }
0x71: {  	_ =	shalt  }
0x72: {  	_ =	shalt  }
0x73: {  	_ =	shalt  }
0x74: {  	_ =	shalt  }
0x75: {  	_ =	shalt  }
0x76: {  	_ =	shalt  }
0x77: {  	_ =	shalt  }
0x78: {  	_ =	shalt  }
0x79: {  	_ =	shalt  }
0x7a: {  	_ =	shalt  }
0x7b: {  	_ =	shalt  }
0x7c: {  	_ =	shalt  }
0x7d: {  	_ =	shalt  }
0x7e: {  	_ =	shalt  }
0x7f: {  	_ =	shalt  }
0x80: {  	_ =	shalt  }
0x81: {  	_ =	shalt  }
0x82: {  	_ =	shalt  }
0x83: {  	_ =	shalt  }
0x84: {  	_ =	shalt  }
0x85: {  	_ =	shalt  }
0x86: {  	_ =	shalt  }
0x87: {  	_ =	shalt  }
.Lfunc_end0:
.L_simem_size_0:
called_computation_lowered:
.L_overlay_start_0:
0x88: {  	s2 =	sld [smem:$0x3FD9]  }
0x89: {  	s3 =	sld [smem:$0x3FFE];
	_ =	sdelay $0x1  }
0x8a: {  	s1 =	srdreg.scid  }
0x8b: {  	s0 =	sand.u32 $0x1, s1  }
0x8c: {  	s16 =	sshll.u32 s0, $0xA;
	s2 =	sadd.s32 s3, s2  }
0x8d: {  	s2 =	sadd.s32 s2, s16  }
0x8e: {  	[smem:$0x3FBB] =	sst s2  }
0x8f: {  	_ = 	snop  }
0x90: {  	(tm) =	ssettm $0x1  }
0x91: {  	s17 =	sld [smem:$0x3FFB];
	_ =	sdelay $0x3  }
0x92: {  	_ =	strace s17  }
0x93: {  	s2 =	sld [smem:$0x3FFC];
	_ =	sdelay $0x3  }
0x94: {  	_ =	strace s2  }
0x95: {  	s2 =	sld [smem:$0x3FFD];
	_ =	sdelay $0x3  }
0x96: {  	_ =	strace s2  }
0x97: {  	_ =	strace $0x8FFFFFFF  }
0x98: {  	s18 =	sld [smem:$0x3FDB];
	_ =	sdelay $0x1  }
0x99: {  	s19 =	simm.s32 $_scs_section_size  }
0x9a: {  	s4 =	simm.s32 $_size__tile_overlayer_lowered;
	s5 =	simm.s32 $_tile_overlayer_lowered  }
0x9b: {  	s22 =	simm.s32 $0x1BFF;
	s21 =	sshll.u32 s5, $0x1;
	s2 =	sadd.s32 s19, s18  }
0x9c: {  	s6 =	simm.s32 $0x0;
	s20 =	sshll.u32 s4, $0x1;
	s4 =	sadd.s32 s21, s2  }
0x9d: {  	[timem:s6], [sflag:s22] =	dma.local [hbm:s4], s20  }
0x9e: {  	_ =	swait.ge [sflag:s22], s20  }
0x9f: {  	s3 =	ssub.s32 $0x0, s20;
	[sflag:s22] =	ssyncset.done $0x0  }
0xa0: {  	[sflag:s22] =	ssyncadd.s32 s3;
	_ =	sdelay $0x1  }
0xa1: {  	s23 =	simm.s32 $0x1B8B  }
0xa2: {  	_ =	swait.ge [sflag:s23], $0x1  }
0xa3: {  	[sflag:s23] =	ssyncset.done $0x0  }
0xa4: {  	s25 =	simm.s32 $0x1B8E;
	s24 =	sld [smem:$0x3FFE];
	[sflag:s23] =	ssyncadd.s32 $0xFFFFFFFF  }
0xa5: {  	s26 =	simm.s32 $execute0_lowered;
	[smem:$0x3FD2] =	sst s25  }
0xa6: {  	s4 =	sshll.u32 s26, $0x1;
	_ =	strace $0x80000046;
	[dreg:$0x1] =	wrdreg $0xFFFFFFFF  }
0xa7: {  	s28 =	simm.s32 $_size_execute0_lowered;
	s2 =	sadd.s32 s2, s4;
	[dreg:$0x0] =	wrdreg $0x0  }
0xa8: {  	s4 =	sshll.u32 s28, $0x1;
	[dreg:$0x2] =	wrdreg s2  }
0xa9: {  	[dreg:$0x3] =	wrdreg s4  }
0xaa: {  	[dreg:$0x4] =	wrdreg $0xC0  }
0xab: {  	_ =	task [dreg:s6], $0x5FFFF  }
0xac: {  	[dreg:$0x1] =	wrdreg $0xFFFFFFFF  }
0xad: {  	[dreg:$0x0] =	wrdreg $0x60  }
0xae: {  	[dreg:$0x2] =	wrdreg s24  }
0xaf: {  	[dreg:$0x3] =	wrdreg $0x82000  }
0xb0: {  	[dreg:$0x4] =	wrdreg $0x1C5000  }
0xb1: {  	[dreg:$0x5] =	wrdreg $0x9  }
0xb2: {  	_ =	task.clear_ibuf [dreg:s6], $0x6FFFF;
	_ =	strace $0x90000046  }
0xb3: {  	s29 =	simm.s32 $0x9;
	_ =	strace $0x80000048  }
0xb4: {  	_ =	swait.ge [sflag:s29], $0x1  }
0xb5: {  	[sflag:s29] =	ssyncadd.s32 $0xFFFFFFFF  }
0xb6: {  	_ =	strace $0x90000048  }
0xb7: {  	_ =	sfence  }
0xb8: {  	s30 =	sld [smem:$0x0];
	_ =	sdelay $0x2  }
0xb9: {  	s31 =	sshll.u32 s1, $0xD;
	s1 =	sshrl.u32 s1, $0x2  }
0xba: {  	s3 =	sand.u32 $0x4000, s31;
	s1 =	sadd.s32 s1, s30  }
0xbb: {  	s0 =	sor.u32 s3, s0;
	s1 =	sshll.u32 s1, $0x11  }
0xbc: {  	s0 =	sor.u32 s1, s0  }
0xbd: {  	s0 =	sadd.s32 $0x8F2B, s0  }
0xbe: {  	[sflag:s0] =	ssyncadd.remote.s32 $0x1  }
0xbf: {  	_ =	sfence.sel $0xFFFF  }
0xc0: {  	[dreg:$0x0] =	wrdreg $0xFFFFFFFF;
	(pc) =	sbr.abs _section_cstart, $3  }
0xc1: {  	[dreg:$0x1] =	wrdreg $0xFFFFFFFF  }
0xc2: {  	_ =	task.clear_ibuf [dreg:s6], $0x2FFFF;
	_ =	strace $0x9FFFFFFF  }
0xc3: {  	(tm) =	ssettm $0x7FFFFFFF  }
tec
execute0_lowered:
.L_overlay_start_1:
0x0: {  	(tag) =	ssettag $0x1  }
0x1: {  	s0 =	rddreg [dreg:$0x0]  }
0x2: {  	s1 =	rddreg [dreg:$0x1]  }
0x3: {  	s2 =	rddreg [dreg:$0x2];
	s4 =	simm.s32 $0x0  }
0x4: {  	s3 =	srdreg.scid;
	s12 =	stileid.u32;
	s28 =	simm.s32 $0x4200  }
0x5: {  	s29 =	simm.s32 $0x1;
	s30 =	simm.s32 $0x1C200;
	s31 =	simm.s32 $0x2  }
0x6: {  	[smem:$0x7FF] =	sst s4;
	s5 =	sadd.s32 $0x16600, s0;
	s8 =	smul.u32 $0x500, s12  }
0x7: {  	s3 =	sand.u32 $0x1, s3;
	s6 =	sadd.s32 $0x2600, s0;
	s13 =	smul.u32 $0x280, s12  }
0x8: {  	s7 =	sadd.s32 $0xC600, s0;
	s11 =	smul.u32 $0x50000, s12;
	s15 =	sadd.s32 $0x3E200, s0  }
0x9: {  	s21 =	sshll.u32 s12, $0x1;
	_ =	strace $0x80000047;
	s9 =	sshll.u32 s3, $0x7  }
0xa: {  	s20 =	ssub.s32 $0x2, s3;
	s14 =	sor.u32 s3, s21;
	s3 =	smul.u32 $0x140000, s3  }
0xb: {  	s21 =	smul.u32 $0x14000, s12;
	s8 =	sor.u32 s9, s8;
	s10 =	sshrl.u32 s20, $0x1  }
0xc: {  	s22 =	sshrl.u32 s11, $0x2;
	s23 =	sshll.u32 s13, $0x7;
	s13 =	sadd.s32 s13, s2  }
0xd: {  	s14 =	smul.u32 $0x2800, s14;
	s8 =	sshrl.u32 s8, $0x3;
	s16 =	ssub.s32 s20, s10  }
0xe: {  	s17 =	sadd.s32 $0x4000, s23;
	s18 =	sadd.s32 $0x8000, s23;
	s19 =	sadd.s32 $0xC000, s23  }
0xf: {  	s20 =	sadd.s32 $0x10000, s23;
	s21 =	sadd.s32 s21, s3;
	s23 =	simm.s32 $0x4  }
0x10: {  	s0 =	sadd.s32 s8, s0;
	s8 =	sadd.s32 s22, s1;
	s9 =	sadd.s32 s17, s1  }
0x11: {  	s10 =	sadd.s32 s18, s1;
	s11 =	sadd.s32 s19, s1;
	s12 =	sadd.s32 s20, s1  }
0x12: {  	s17 =	sadd.s32 s3, s17;
	s21 =	sshrl.u32 s21, $0x3;
	s24 =	sadd.s32 s3, s18  }
0x13: {  	s25 =	sadd.s32 s3, s19;
	s3 =	sadd.s32 s3, s20;
	s22 =	simm.s32 $0x200  }
0x14: {  	s17 =	sshrl.u32 s17, $0x3;
	s21 =	sadd.s32 s15, s21;
	s26 =	sshrl.u32 s25, $0x3  }
0x15: {  	s3 =	sshrl.u32 s3, $0x3;
	s20 =	sadd.s32 $0x3D800, s0;
	s25 =	simm.s32 $0x100  }
0x16: {  	s0 =	simm.s32 $0x180;
	[dreg:$0x4] =	wrdreg s21;
	s17 =	sadd.s32 s15, s17  }
0x17: {  	s3 =	sadd.s32 s15, s3;
	[dreg:$0x5] =	wrdreg s17;
	s17 =	sshrl.u32 s24, $0x3  }
0x18: {  	s21 =	smax.u32 s16, $0x1;
	[dreg:$0x8] =	wrdreg s3;
	s17 =	sadd.s32 s15, s17  }
0x19: {  	s24 =	simm.s32 $0x3;
	[dreg:$0x6] =	wrdreg s17;
	s17 =	sadd.s32 s15, s26  }
0x1a: {  	v0 =	vimm.f32 $0.0e+00;
	v1 =	vimm.f32 $1.000000000e+00;
	s3 =	simm.s32 $0x0;
	s26 =	simm.s32 $0x80;
	[dreg:$0x7] =	wrdreg s17  }
.LBB2_1:
0x1b: {  	s15 =	sand.u32 $0xFE00, s4  }
0x1c: {  	s16 =	sand.u32 $0x70, s4;
	s17 =	sshrl.u32 s15, $0x2  }
0x1d: {  	s15 =	simm.s32 $0x40;
	s17 =	sor.u32 s16, s17;
	s16 =	simm.s32 $0x0  }
.LBB2_2:
0x1e: {  	p0 =	sne.s32 s15, $0xFFC0  }
0x1f: {  	[tilespmem:s17+$0x200] =	vst v0;
	s16 =	sadd.s32 $0x10, s16;
	s17 =	smov.u32 s15;
	s15 =	sadd.s32 $0x40, s15  }
.Ltmp0:
0x20: {  	(pc) =	sbr.rel @p0 .LBB2_2-.Ltmp0, $4  }
0x21: {  	_ = 	snop  }
0x22: {  	s17 =	sand.u32 $0xFE00, s17  }
0x23: {  	s18 =	sand.u32 $0x70, s16;
	s17 =	sshrl.u32 s17, $0x2  }
0x24: {  	s17 =	sor.u32 s18, s17  }
0x25: {  	[tilespmem:s17+$0x200] =	vst v0  }
0x26: {  	[spmem:s8] =	stream.linear.scatter [tilespmem:s22], [sflag:$0x4], $0x4000, $0x38;
	[tilespmem:$0x1C780] =	vst v63  }
0x27: {  	_ =	swait.ge [sflag:s23], $0x4000  }
0x28: {  	[sflag:s23] =	ssyncset.done $0x0  }
0x29: {  	[sflag:s23] =	ssyncadd.s32 $0xFFFFC000  }
0x2a: {  	[spmem:s9] =	stream.linear.scatter [tilespmem:s22], [sflag:$0x4], $0x4000, $0x38;
	[tilespmem:$0x1C780] =	vst v63  }
0x2b: {  	_ =	swait.ge [sflag:s23], $0x4000  }
0x2c: {  	[sflag:s23] =	ssyncset.done $0x0  }
0x2d: {  	[sflag:s23] =	ssyncadd.s32 $0xFFFFC000  }
0x2e: {  	[spmem:s10] =	stream.linear.scatter [tilespmem:s22], [sflag:$0x4], $0x4000, $0x38;
	[tilespmem:$0x1C780] =	vst v63  }
0x2f: {  	_ =	swait.ge [sflag:s23], $0x4000  }
0x30: {  	[sflag:s23] =	ssyncset.done $0x0  }
0x31: {  	[sflag:s23] =	ssyncadd.s32 $0xFFFFC000  }
0x32: {  	[spmem:s11] =	stream.linear.scatter [tilespmem:s22], [sflag:$0x4], $0x4000, $0x38;
	[tilespmem:$0x1C780] =	vst v63  }
0x33: {  	_ =	swait.ge [sflag:s23], $0x4000  }
0x34: {  	[sflag:s23] =	ssyncset.done $0x0  }
0x35: {  	[sflag:s23] =	ssyncadd.s32 $0xFFFFC000  }
0x36: {  	[spmem:s12] =	stream.linear.scatter [tilespmem:s22], [sflag:$0x4], $0x4000, $0x38;
	[tilespmem:$0x1C780] =	vst v63  }
0x37: {  	_ =	swait.ge [sflag:s23], $0x4000  }
0x38: {  	[sflag:s23] =	ssyncset.done $0x0  }
0x39: {  	[sflag:s23] =	ssyncadd.s32 $0xFFFFC000  }
0x3a: {  	[tilespmem:$0x1C200] =	vst v1  }
0x3b: {  	[tilespmem:$0x1C210] =	vst v1  }
0x3c: {  	[tilespmem:$0x1C220] =	vst v1  }
0x3d: {  	[tilespmem:$0x1C230] =	vst v1  }
0x3e: {  	[tilespmem:$0x1C240] =	vst v1  }
0x3f: {  	[tilespmem:$0x1C250] =	vst v1  }
0x40: {  	[tilespmem:$0x1C260] =	vst v1  }
0x41: {  	[tilespmem:$0x1C270] =	vst v1  }
0x42: {  	[tilespmem:$0x1C280] =	vst v0  }
0x43: {  	[tilespmem:$0x1C290] =	vst v0  }
0x44: {  	[tilespmem:$0x1C2A0] =	vst v0  }
0x45: {  	[tilespmem:$0x1C2B0] =	vst v0  }
0x46: {  	[tilespmem:$0x1C2C0] =	vst v0  }
0x47: {  	[tilespmem:$0x1C2D0] =	vst v0  }
0x48: {  	[tilespmem:$0x1C2E0] =	vst v0  }
0x49: {  	[tilespmem:$0x1C2F0] =	vst v0  }
0x4a: {  	[tilespmem:$0x1C300] =	vst v0  }
0x4b: {  	[tilespmem:$0x1C310] =	vst v0  }
0x4c: {  	[tilespmem:$0x1C320] =	vst v0  }
0x4d: {  	[tilespmem:$0x1C330] =	vst v0  }
0x4e: {  	[tilespmem:$0x1C340] =	vst v0  }
0x4f: {  	[tilespmem:$0x1C350] =	vst v0  }
0x50: {  	[tilespmem:$0x1C360] =	vst v0  }
0x51: {  	[tilespmem:$0x1C370] =	vst v0  }
0x52: {  	[tilespmem:$0x1C380] =	vst v0  }
0x53: {  	[tilespmem:$0x1C390] =	vst v0  }
0x54: {  	[tilespmem:$0x1C3A0] =	vst v0  }
0x55: {  	[tilespmem:$0x1C3B0] =	vst v0  }
0x56: {  	[tilespmem:$0x1C3C0] =	vst v0  }
0x57: {  	[tilespmem:$0x1C3D0] =	vst v0  }
0x58: {  	[tilespmem:$0x1C3E0] =	vst v0  }
0x59: {  	[tilespmem:$0x1C3F0] =	vst v0  }
0x5a: {  	[tilespmem:$0x1C400] =	vst v0  }
0x5b: {  	[tilespmem:$0x1C410] =	vst v0  }
0x5c: {  	[tilespmem:$0x1C420] =	vst v0  }
0x5d: {  	[tilespmem:$0x1C430] =	vst v0  }
0x5e: {  	[tilespmem:$0x1C440] =	vst v0  }
0x5f: {  	[tilespmem:$0x1C450] =	vst v0  }
0x60: {  	[tilespmem:$0x1C460] =	vst v0  }
0x61: {  	[tilespmem:$0x1C470] =	vst v0  }
0x62: {  	[tilespmem:$0x1C480] =	vst v0  }
0x63: {  	[tilespmem:$0x1C490] =	vst v0  }
0x64: {  	[tilespmem:$0x1C4A0] =	vst v0  }
0x65: {  	[tilespmem:$0x1C4B0] =	vst v0  }
0x66: {  	[tilespmem:$0x1C4C0] =	vst v0  }
0x67: {  	[tilespmem:$0x1C4D0] =	vst v0  }
0x68: {  	s19 =	simm.s32 $0x0;
	[tilespmem:$0x1C4E0] =	vst v0  }
0x69: {  	s15 =	simm.s32 $0x1C280;
	s16 =	sand.u32 $0x3C00, s19;
	[tilespmem:$0x1C4F0] =	vst v0  }
0x6a: {  	[spmem:s13] =	stream.linear.scatter [tilespmem:s15], [sflag:$0x4], $0x280, $0x38;
	[tilespmem:$0x1C780] =	vst v63  }
0x6b: {  	s16 =	sadd.s32 s14, s16;
	s15 =	sand.u32 $0x300, s19;
	_ =	swait.ge [sflag:s23], $0x280  }
0x6c: {  	s15 =	sor.u32 s15, s16;
	[sflag:s23] =	ssyncset.done $0x0  }
0x6d: {  	s15 =	sshrl.u32 s15, $0x3;
	[sflag:s23] =	ssyncadd.s32 $0xFFFFFD80  }
0x6e: {  	s17 =	sadd.s32 s6, s15;
	[bflag:$0x0] =	sbarrier.arrive $0xFFFF  }
0x6f: {  	[tilespmem:s4], [sflag:$0x4] =	stream.linear.gather [hbm4b:s17+s4], $0x100, $0x38;
	[tilespmem:$0x1C780] =	vst v63  }
0x70: {  	_ =	swait.ge [sflag:s23], $0x100  }
0x71: {  	[sflag:s23] =	ssyncset.done $0x0  }
0x72: {  	s15 =	sadd.s32 s7, s15;
	[sflag:s23] =	ssyncadd.s32 $0xFFFFFF00  }
0x73: {  	[tilespmem:s25], [sflag:$0x4] =	stream.linear.gather [hbm4b:s15+s4], $0x100, $0x38;
	[tilespmem:$0x1C780] =	vst v63  }
0x74: {  	_ =	swait.ge [sflag:s23], $0x100  }
0x75: {  	[sflag:s23] =	ssyncset.done $0x0  }
0x76: {  	[sflag:s23] =	ssyncadd.s32 $0xFFFFFF00  }
0x77: {  	[tilespmem:s22], [sflag:$0x1] =	stream.indirect.gather [hbm4b:s5+s26], $0x80, s4, s26, $0xb8;
	[tilespmem:$0x1C780] =	vst v63  }
0x78: {  	_ = 	snop  }
0x79: {  	[tilespmem:s28], [sflag:$0x2] =	stream.indirect.gather [hbm4b:s5+s26], $0x80, s26, s26, $0xb8;
	[tilespmem:$0x1C780] =	vst v63  }
0x7a: {  	_ =	swait.ge [sflag:s29], $0x4000  }
0x7b: {  	[sflag:s29] =	ssyncset.done $0x0  }
0x7c: {  	[sflag:s29] =	ssyncadd.s32 $0xFFFFC000  }
0x7d: {  	[spmem:s1] =	stream.indirect.scatter.add.f32 [tilespmem:s22], [sflag:$0x3], $0x80, s25, s26, $0xb8;
	[tilespmem:$0x1C780] =	vst v63  }
0x7e: {  	_ = 	snop  }
0x7f: {  	[spmem:s2] =	stream.indirect.scatter.add.f32 [tilespmem:s30], [sflag:$0x4], $0x1, s25, s26, $0xb8;
	[tilespmem:$0x1C780] =	vst v63  }
0x80: {  	_ =	swait.ge [sflag:s23], $0x80  }
0x81: {  	[sflag:s23] =	ssyncset.done $0x0  }
0x82: {  	[sflag:s23] =	ssyncadd.s32 $0xFFFFFF80  }
0x83: {  	_ =	swait.ge [sflag:s31], $0x4000  }
0x84: {  	[sflag:s31] =	ssyncset.done $0x0  }
0x85: {  	[sflag:s31] =	ssyncadd.s32 $0xFFFFC000  }
0x86: {  	[spmem:s1] =	stream.indirect.scatter.add.f32 [tilespmem:s28], [sflag:$0x4], $0x80, s0, s26, $0xb8;
	[tilespmem:$0x1C780] =	vst v63  }
0x87: {  	_ =	swait.ge [sflag:s23], $0x4000  }
0x88: {  	[sflag:s23] =	ssyncset.done $0x0  }
0x89: {  	[sflag:s23] =	ssyncadd.s32 $0xFFFFC000  }
0x8a: {  	[spmem:s2] =	stream.indirect.scatter.add.f32 [tilespmem:s30], [sflag:$0x4], $0x1, s0, s26, $0xb8;
	[tilespmem:$0x1C780] =	vst v63  }
0x8b: {  	s18 =	simm.s32 $0x100;
	_ =	swait.ge [sflag:s23], $0x80  }
0x8c: {  	s19 =	sand.u32 $0x3C00, s18;
	[sflag:s23] =	ssyncset.done $0x0  }
0x8d: {  	s16 =	sadd.s32 s14, s19;
	s15 =	sand.u32 $0x300, s18;
	[sflag:s23] =	ssyncadd.s32 $0xFFFFFF80  }
0x8e: {  	s16 =	sor.u32 s15, s16;
	_ =	swait.ge [sflag:s24], $0x4000  }
0x8f: {  	s15 =	simm.s32 $0x200;
	s17 =	sshrl.u32 s16, $0x3;
	[sflag:s24] =	ssyncset.done $0x0  }
.LBB2_4:
0x90: {  	s19 =	sadd.s32 s6, s17  }
0x91: {  	[sflag:s24] =	ssyncadd.s32 $0xFFFFC000;
	s16 =	smov.u32 s15;
	s18 =	sadd.s32 $0x100, s15  }
0x92: {  	[tilespmem:s4], [sflag:$0x4] =	stream.linear.gather [hbm4b:s19+s4], $0x100, $0x38;
	[tilespmem:$0x1C780] =	vst v63  }
0x93: {  	p0 =	sne.s32 s15, $0x2700;
	_ =	swait.ge [sflag:s23], $0x100  }
0x94: {  	[sflag:s23] =	ssyncset.done $0x0  }
0x95: {  	s15 =	sadd.s32 s7, s17;
	[sflag:s23] =	ssyncadd.s32 $0xFFFFFF00  }
0x96: {  	[tilespmem:s25], [sflag:$0x4] =	stream.linear.gather [hbm4b:s15+s4], $0x100, $0x38;
	[tilespmem:$0x1C780] =	vst v63  }
0x97: {  	_ =	swait.ge [sflag:s23], $0x100  }
0x98: {  	[sflag:s23] =	ssyncset.done $0x0  }
0x99: {  	[sflag:s23] =	ssyncadd.s32 $0xFFFFFF00  }
0x9a: {  	[tilespmem:s22], [sflag:$0x1] =	stream.indirect.gather [hbm4b:s5+s26], $0x80, s4, s26, $0xb8;
	[tilespmem:$0x1C780] =	vst v63  }
0x9b: {  	_ = 	snop  }
0x9c: {  	[tilespmem:s28], [sflag:$0x2] =	stream.indirect.gather [hbm4b:s5+s26], $0x80, s26, s26, $0xb8;
	[tilespmem:$0x1C780] =	vst v63  }
0x9d: {  	_ =	swait.ge [sflag:s29], $0x4000  }
0x9e: {  	[sflag:s29] =	ssyncset.done $0x0  }
0x9f: {  	[sflag:s29] =	ssyncadd.s32 $0xFFFFC000  }
0xa0: {  	[spmem:s1] =	stream.indirect.scatter.add.f32 [tilespmem:s22], [sflag:$0x3], $0x80, s25, s26, $0xb8;
	[tilespmem:$0x1C780] =	vst v63  }
0xa1: {  	_ = 	snop  }
0xa2: {  	[spmem:s2] =	stream.indirect.scatter.add.f32 [tilespmem:s30], [sflag:$0x4], $0x1, s25, s26, $0xb8;
	[tilespmem:$0x1C780] =	vst v63  }
0xa3: {  	_ =	swait.ge [sflag:s23], $0x80  }
0xa4: {  	[sflag:s23] =	ssyncset.done $0x0  }
0xa5: {  	[sflag:s23] =	ssyncadd.s32 $0xFFFFFF80  }
0xa6: {  	_ =	swait.ge [sflag:s31], $0x4000  }
0xa7: {  	[sflag:s31] =	ssyncset.done $0x0  }
0xa8: {  	[sflag:s31] =	ssyncadd.s32 $0xFFFFC000  }
0xa9: {  	[spmem:s1] =	stream.indirect.scatter.add.f32 [tilespmem:s28], [sflag:$0x4], $0x80, s0, s26, $0xb8;
	[tilespmem:$0x1C780] =	vst v63  }
0xaa: {  	_ =	swait.ge [sflag:s23], $0x4000  }
0xab: {  	[sflag:s23] =	ssyncset.done $0x0  }
0xac: {  	[sflag:s23] =	ssyncadd.s32 $0xFFFFC000  }
0xad: {  	[spmem:s2] =	stream.indirect.scatter.add.f32 [tilespmem:s30], [sflag:$0x4], $0x1, s0, s26, $0xb8;
	[tilespmem:$0x1C780] =	vst v63  }
.Ltmp1:
0xae: {  	_ =	swait.ge [sflag:s23], $0x80;
	(pc) =	sbr.rel @p0 .LBB2_4-.Ltmp1, $4  }
0xaf: {  	s15 =	sand.u32 $0x3C00, s16;
	[sflag:s23] =	ssyncset.done $0x0  }
0xb0: {  	s16 =	sand.u32 $0x300, s16;
	s15 =	sadd.s32 s14, s15;
	[sflag:s23] =	ssyncadd.s32 $0xFFFFFF80  }
0xb1: {  	s15 =	sor.u32 s16, s15;
	_ =	swait.ge [sflag:s24], $0x4000  }
0xb2: {  	s17 =	sshrl.u32 s15, $0x3;
	s15 =	smov.u32 s18;
	[sflag:s24] =	ssyncset.done $0x0  }
0xb3: {  	s15 =	sadd.s32 s6, s17;
	[sflag:s24] =	ssyncadd.s32 $0xFFFFC000  }
0xb4: {  	[tilespmem:s4], [sflag:$0x4] =	stream.linear.gather [hbm4b:s15+s4], $0x100, $0x38;
	[tilespmem:$0x1C780] =	vst v63  }
0xb5: {  	_ =	swait.ge [sflag:s23], $0x100  }
0xb6: {  	[sflag:s23] =	ssyncset.done $0x0  }
0xb7: {  	s17 =	sadd.s32 s7, s17;
	[sflag:s23] =	ssyncadd.s32 $0xFFFFFF00  }
0xb8: {  	[tilespmem:s25], [sflag:$0x4] =	stream.linear.gather [hbm4b:s17+s4], $0x100, $0x38;
	[tilespmem:$0x1C780] =	vst v63  }
0xb9: {  	_ =	swait.ge [sflag:s23], $0x100  }
0xba: {  	[sflag:s23] =	ssyncset.done $0x0  }
0xbb: {  	[sflag:s23] =	ssyncadd.s32 $0xFFFFFF00  }
0xbc: {  	[tilespmem:s22], [sflag:$0x1] =	stream.indirect.gather [hbm4b:s5+s26], $0x80, s4, s26, $0xb8;
	[tilespmem:$0x1C780] =	vst v63  }
0xbd: {  	_ = 	snop  }
0xbe: {  	[tilespmem:s28], [sflag:$0x2] =	stream.indirect.gather [hbm4b:s5+s26], $0x80, s26, s26, $0xb8;
	[tilespmem:$0x1C780] =	vst v63  }
0xbf: {  	_ =	swait.ge [sflag:s29], $0x4000  }
0xc0: {  	[sflag:s29] =	ssyncset.done $0x0  }
0xc1: {  	[sflag:s29] =	ssyncadd.s32 $0xFFFFC000  }
0xc2: {  	[spmem:s1] =	stream.indirect.scatter.add.f32 [tilespmem:s22], [sflag:$0x3], $0x80, s25, s26, $0xb8;
	[tilespmem:$0x1C780] =	vst v63  }
0xc3: {  	_ = 	snop  }
0xc4: {  	[spmem:s2] =	stream.indirect.scatter.add.f32 [tilespmem:s30], [sflag:$0x4], $0x1, s25, s26, $0xb8;
	[tilespmem:$0x1C780] =	vst v63  }
0xc5: {  	_ =	swait.ge [sflag:s23], $0x80  }
0xc6: {  	[sflag:s23] =	ssyncset.done $0x0  }
0xc7: {  	[sflag:s23] =	ssyncadd.s32 $0xFFFFFF80  }
0xc8: {  	_ =	swait.ge [sflag:s31], $0x4000  }
0xc9: {  	[sflag:s31] =	ssyncset.done $0x0  }
0xca: {  	[sflag:s31] =	ssyncadd.s32 $0xFFFFC000  }
0xcb: {  	[spmem:s1] =	stream.indirect.scatter.add.f32 [tilespmem:s28], [sflag:$0x4], $0x80, s0, s26, $0xb8;
	[tilespmem:$0x1C780] =	vst v63  }
0xcc: {  	_ =	swait.ge [sflag:s23], $0x4000  }
0xcd: {  	[sflag:s23] =	ssyncset.done $0x0  }
0xce: {  	[sflag:s23] =	ssyncadd.s32 $0xFFFFC000  }
0xcf: {  	[spmem:s2] =	stream.indirect.scatter.add.f32 [tilespmem:s30], [sflag:$0x4], $0x1, s0, s26, $0xb8;
	[tilespmem:$0x1C780] =	vst v63  }
0xd0: {  	_ =	swait.ge [sflag:s23], $0x80  }
0xd1: {  	[sflag:s23] =	ssyncset.done $0x0  }
0xd2: {  	[sflag:s23] =	ssyncadd.s32 $0xFFFFFF80  }
0xd3: {  	_ =	swait.ge [sflag:s24], $0x4000  }
0xd4: {  	[sflag:s24] =	ssyncset.done $0x0  }
0xd5: {  	s18 =	stileid.u32;
	[sflag:s24] =	ssyncadd.s32 $0xFFFFC000  }
0xd6: {  	s15 =	sshll.u32 s18, $0x6;
	[bflag:$0x0] =	sbarrier.arrive $0xFFFF  }
0xd7: {  	s16 =	sshrl.u32 s8, $0x3;
	s15 =	sor.u32 $0x1C04, s15;
	s19 =	rddreg [dreg:$0x4]  }
0xd8: {  	[hbm:s19], [sflag:s15] =	dma.local [spmem:s16], $0x800  }
0xd9: {  	_ =	swait.ge [sflag:s23], $0x800  }
0xda: {  	[sflag:s23] =	ssyncset.done $0x0  }
0xdb: {  	s18 =	sshrl.u32 s9, $0x3;
	s19 =	rddreg [dreg:$0x5];
	[sflag:s23] =	ssyncadd.s32 $0xFFFFF800  }
0xdc: {  	[hbm:s19], [sflag:s15] =	dma.local [spmem:s18], $0x800  }
0xdd: {  	_ =	swait.ge [sflag:s23], $0x800  }
0xde: {  	[sflag:s23] =	ssyncset.done $0x0  }
0xdf: {  	s18 =	sshrl.u32 s10, $0x3;
	s19 =	rddreg [dreg:$0x6];
	[sflag:s23] =	ssyncadd.s32 $0xFFFFF800  }
0xe0: {  	[hbm:s19], [sflag:s15] =	dma.local [spmem:s18], $0x800  }
0xe1: {  	_ =	swait.ge [sflag:s23], $0x800  }
0xe2: {  	[sflag:s23] =	ssyncset.done $0x0  }
0xe3: {  	s18 =	sshrl.u32 s11, $0x3;
	s19 =	rddreg [dreg:$0x7];
	[sflag:s23] =	ssyncadd.s32 $0xFFFFF800  }
0xe4: {  	[hbm:s19], [sflag:s15] =	dma.local [spmem:s18], $0x800  }
0xe5: {  	_ =	swait.ge [sflag:s23], $0x800  }
0xe6: {  	s3 =	sadd.s32 $0x1, s3;
	[sflag:s23] =	ssyncset.done $0x0  }
0xe7: {  	s18 =	sshrl.u32 s12, $0x3;
	s19 =	rddreg [dreg:$0x8];
	[sflag:s23] =	ssyncadd.s32 $0xFFFFF800  }
0xe8: {  	[hbm:s19], [sflag:s15] =	dma.local [spmem:s18], $0x800  }
0xe9: {  	p0 =	sne.s32 s3, s21;
	_ =	swait.ge [sflag:s23], $0x800  }
0xea: {  	s17 =	sshrl.u32 s13, $0x3;
	s19 =	simm.s32 $0x20;
	[sflag:s23] =	ssyncset.done $0x0  }
.Ltmp2:
0xeb: {  	s18 =	simm.s32 $0x10;
	[sflag:s23] =	ssyncadd.s32 $0xFFFFF800;
	(pc) =	sbr.rel @p0 .LBB2_1-.Ltmp2, $4  }
0xec: {  	[hbm:s20@s19], [sflag:s15] =	dma.strided [spmem:s17@s18], $0x50, s29, $0x10   }
0xed: {  	_ =	swait.ge [sflag:s23], $0x50  }
0xee: {  	[sflag:s23] =	ssyncset.done $0x0  }
0xef: {  	[sflag:s23] =	ssyncadd.s32 $0xFFFFFFB0  }
0xf0: {  	_ =	sfence.sel $0x180000  }
0xf1: {  	[bflag:$0x0] =	sbarrier.arrive $0xFFFF  }
0xf2: {  	_ =	strace $0x90000047  }
0xf3: {  	s0 =	stileid.u32;
	[bflag:$0x2] =	sbarrier.arrive $0xFFFF  }
0xf4: {  	p0 =	sne.s32 s0, $0x0;
	s0 =	rddreg [dreg:$0x3]  }
0xf5: {  	s0 =	sadd.s32 @!p0 $0x100000, s0  }
0xf6: {  	[sflag:s0] =	ssyncadd.tile.s32 @!p0 $0x1;
	_ =	shalt  }
.Lfunc_end2:
_tile_overlayer_lowered:
.L_overlay_start_2:
0xf7: {  	(tag) =	ssettag $0x2  }
0xf8: {  	s0 =	rddreg [dreg:$0x0];
	s2 =	stileid.u32  }
0xf9: {  	s1 =	rddreg [dreg:$0x1];
	p0 =	sne.s32 s2, $0x0  }
0xfa: {  	s3 =	rddreg [dreg:$0x2];
	[bflag:$0x3] =	sbarrier.arrive $0xFFFF;
	s2 =	simm.s32 @!p0 $0x1C04  }
0xfb: {  	[timem:s3], [sflag:s2] =	dma.local @!p0 [hbm:s0], s1  }
0xfc: {  	s0 =	simm.s32 @!p0 $0x4  }
0xfd: {  	_ =	swait.ge @!p0 [sflag:s0], s1  }
0xfe: {  	s1 =	ssub.s32 @!p0 $0x0, s1;
	[sflag:s0] =	ssyncset.done @!p0 $0x0  }
0xff: {  	[sflag:s0] =	ssyncadd.s32 @!p0 s1  }
0x100: {  	[bflag:$0x3] =	sbarrier.arrive $0xFFFF  }
0x101: {  	_ =	shalt  }

</sc_bundles>
